<compile_context>
chip_gen: v7x
topology: tpu7x:2x2x1
jax: 0.10.2.dev20260603
libtpu: 0.0.44.dev20260713+nightly
codegen_flags: <defaults>
</compile_context>

<pallas_src>
import numpy as np
import jax
import jax.numpy as jnp
from jax.experimental import pallas as pl
from jax.experimental.pallas import tpu as pltpu

_NH = 32
_NKEEP = 2048
_TILE = 256
_N = 4096
_E = 128
_B = 4
_INV32 = np.float32(1.0 / 32.0)
_INV31 = np.float32(1.0 / 31.0)
_TWO = np.float32(2.0)


def _tree32(v):
    a = ((v[0:8] + v[8:16]) + v[16:24]) + v[24:32]
    b = a[0:4] + a[4:8]
    c = b[0:2] + b[2:4]
    return c[0:1] + c[1:2]


def _stats_kernel(idx_ref, x_ref, gm_ref, ld_ref, ratio_scr, xnh_scr):
    gm = gm_ref[0]

    def body(p, carry):
        for j in range(_NH):
            i = idx_ref[0, 0, p * _NH + j, 0]
            xnh_scr[pl.ds(j, 1), :] = x_ref[0, pl.ds(i, 1), :]
        v = xnh_scr[...]
        mean = _tree32(v) * _INV32
        dev = v - mean
        vs = _tree32(dev * dev)
        ls = jnp.sqrt(vs * _INV31)
        ratio_scr[pl.ds(p, 1), :] = ls / gm
        return carry

    jax.lax.fori_loop(0, _TILE, body, 0)
    rt = jnp.swapaxes(ratio_scr[...], 0, 1)
    acc = rt[0:8]
    for t in range(1, 16):
        acc = acc + rt[8 * t:8 * t + 8]
    b = acc[0:4] + acc[4:8]
    c = b[0:2] + b[2:4]
    ld_ref[0, 0] = c[0:1] + c[1:2]


def _sel_kernel(ld_ref, sel_ref):
    ld = ld_ref[0]
    iota = (jax.lax.broadcasted_iota(jnp.int32, (32, 128), 0) * 128
            + jax.lax.broadcasted_iota(jnp.int32, (32, 128), 1))

    def body(k, ldc):
        m0 = jnp.max(ldc, axis=1, keepdims=True)
        m = jnp.max(m0, axis=0, keepdims=True)
        cand = jnp.where(ldc == m, iota, jnp.int32(_N))
        a0 = jnp.min(cand, axis=1, keepdims=True)
        am = jnp.min(a0, axis=0, keepdims=True)
        sel_ref[0, pl.ds(k, 1), :] = am
        return jnp.where(iota == am, -jnp.float32(jnp.inf), ldc)

    jax.lax.fori_loop(0, _NKEEP, body, ld)


def _gather_kernel(sel_ref, x_ref, cp_ref, xr_ref, cr_ref):
    def body(k, carry):
        i = sel_ref[0, k, 0]
        xr_ref[0, pl.ds(k, 1), :] = x_ref[0, pl.ds(i, 1), :]
        cr_ref[0, pl.ds(k, 1), :] = cp_ref[0, pl.ds(i, 1), :]
        return carry

    jax.lax.fori_loop(0, _NKEEP, body, 0)


def kernel(x, coords, x_cross, coords_cross):
    c = jnp.transpose(coords_cross[..., 0], (0, 2, 1))
    sq = jnp.sum(c * c, axis=-1)
    d2 = sq[:, :, None] + sq[:, None, :] - 2.0 * jnp.einsum('bnd,bmd->bnm', c, c)
    _, idx_nm = jax.lax.top_k(-d2, _NH)

    n_tiles = _N // _TILE
    idx = idx_nm.reshape(_B, n_tiles, _NH * _TILE, 1)

    gm = jnp.abs(jnp.mean(x_cross, axis=1))[:, None, :]

    ld4 = pl.pallas_call(
        _stats_kernel,
        grid=(_B, n_tiles),
        in_specs=[
            pl.BlockSpec((1, 1, _NH * _TILE, 1), lambda b, t: (b, t, 0, 0)),
            pl.BlockSpec((1, _N, _E), lambda b, t: (b, 0, 0)),
            pl.BlockSpec((1, 1, _E), lambda b, t: (b, 0, 0)),
        ],
        out_specs=pl.BlockSpec((1, 1, 1, _TILE), lambda b, t: (b, t, 0, 0)),
        out_shape=jax.ShapeDtypeStruct((_B, n_tiles, 1, _TILE), jnp.float32),
        scratch_shapes=[
            pltpu.VMEM((_TILE, _E), jnp.float32),
            pltpu.VMEM((_NH, _E), jnp.float32),
        ],
    )(idx, x_cross, gm)

    local_dist = ld4.reshape(_B, _N)
    ld2d = local_dist.reshape(_B, 32, 128)

    sel = pl.pallas_call(
        _sel_kernel,
        grid=(_B,),
        in_specs=[pl.BlockSpec((1, 32, 128), lambda b: (b, 0, 0))],
        out_specs=pl.BlockSpec((1, _NKEEP, 1), lambda b: (b, 0, 0)),
        out_shape=jax.ShapeDtypeStruct((_B, _NKEEP, 1), jnp.int32),
    )(ld2d)

    cpad = jnp.pad(c, ((0, 0), (0, 0), (0, _E - 3)))
    xr, cr = pl.pallas_call(
        _gather_kernel,
        grid=(_B,),
        in_specs=[
            pl.BlockSpec((1, _NKEEP, 1), lambda b: (b, 0, 0)),
            pl.BlockSpec((1, _N, _E), lambda b: (b, 0, 0)),
            pl.BlockSpec((1, _N, _E), lambda b: (b, 0, 0)),
        ],
        out_specs=[
            pl.BlockSpec((1, _NKEEP, _E), lambda b: (b, 0, 0)),
            pl.BlockSpec((1, _NKEEP, _E), lambda b: (b, 0, 0)),
        ],
        out_shape=[
            jax.ShapeDtypeStruct((_B, _NKEEP, _E), jnp.float32),
            jax.ShapeDtypeStruct((_B, _NKEEP, _E), jnp.float32),
        ],
    )(sel, x_cross, cpad)

    coords_red = jnp.transpose(cr[:, :, :3], (0, 2, 1))[..., None]
    return x, xr, coords_red, local_dist

# --- scband reference (transcript-rebuilt; emitter-appended) ---
"""Pipeline reference for scband-reduction-block-8813272891667 (READ-ONLY COPY).

The authoritative reference and input builder live on the scoring server;
editing this copy changes nothing except your own understanding.
"""

import jax, jax.numpy as jnp
import numpy as np

NH = 32  # init nh=16, doubled in reduction_layer.__init__
P_REDUCTION = 0.5


def setup_inputs(seed: int = 0) -> dict:
    key = jax.random.key(seed)
    k1, k2, k3, k4 = jax.random.split(key, 4)
    x = jax.random.normal(k1, (4, 4096, 128), dtype=jnp.float32)
    coords = jax.random.uniform(k2, (4, 3, 4096, 1), dtype=jnp.float32)
    x_cross = jax.random.normal(k3, (4, 4096, 128), dtype=jnp.float32)
    coords_cross = jax.random.uniform(k4, (4, 3, 4096, 1), dtype=jnp.float32)
    return {"x": x, "coords": coords, "x_cross": x_cross, "coords_cross": coords_cross}


def _batched_gather(x, idx):
    # x: [b, m, ...], idx: [b, ...] int -> gather rows along axis 1 per batch
    return jax.vmap(lambda xb, ib: xb[ib])(x, idx)


def _nn_layer(x, coords_q, coords_k, nh):
    # coords: [b, d, n, 1] -> [b, n, d]
    cq = jnp.transpose(coords_q[..., 0], (0, 2, 1))
    ck = jnp.transpose(coords_k[..., 0], (0, 2, 1))
    # squared euclidean distances [b, n, m] via expansion (avoids [b,n,m,d] temp)
    sq_q = jnp.sum(cq * cq, axis=-1)
    sq_k = jnp.sum(ck * ck, axis=-1)
    d2 = sq_q[:, :, None] + sq_k[:, None, :] - 2.0 * jnp.einsum('bnd,bmd->bnm', cq, ck)
    _, idx = jax.lax.top_k(-d2, nh)  # nh nearest neighbors [b, n, nh]
    x_nh = _batched_gather(x, idx)  # [b, n, nh, e]
    ck_nh = _batched_gather(ck, idx)  # [b, n, nh, d]
    rel_coords = ck_nh - cq[:, :, None, :]
    return x_nh, idx, rel_coords


def _reduction_layer(x, coords, nh, p_reduction):
    x_nh, _, rel_coords = _nn_layer(x, coords, coords, nh)
    b, n, nh_, e = x_nh.shape
    global_m = jnp.abs(jnp.mean(x, axis=1))            # [b, e]
    local_s = jnp.std(x_nh, axis=-2, ddof=1)            # [b, n, e] (torch std is unbiased)
    local_dist = jnp.sum(local_s / global_m[:, None, :], axis=-1)  # [b, n]
    n_keep = int((1.0 - p_reduction) * local_dist.shape[1])
    _, indices = jax.lax.top_k(local_dist, n_keep)      # [b, n_keep]
    x_red = _batched_gather(x, indices)                 # [b, n_keep, e]
    coords_red = jax.vmap(lambda cb, ib: cb[:, ib, :])(coords, indices)  # [b, d, n_keep, 1]
    return x_red, coords_red, local_dist


def reference(x, coords, x_cross, coords_cross):
    # reduction_Block.forward with p_reduction > 0 and x_cross provided:
    # the cross stream is top-k reduced; `layer` is an externally-supplied module
    # (passed at call time), modeled here as identity passthrough on x.
    x_cross_red, coords_cross_red, local_dist = _reduction_layer(
        x_cross, coords_cross, NH, P_REDUCTION)
    return x, x_cross_red, coords_cross_red, local_dist

if __name__ == "__main__":
    import jax
    _d = setup_inputs()
    print(jax.jit(kernel)(*tuple(_d.values())))

</pallas_src>

<mosaic_0001>
module attributes {stable_mosaic.version = 14 : i64} {
  func.func @_stats_kernel(%arg0: i32, %arg1: i32, %arg2: memref<1x1x8192x1xi32, #tpu.memory_space<vmem>>, %arg3: memref<1x4096x128xf32, #tpu.memory_space<vmem>>, %arg4: memref<1x1x128xf32, #tpu.memory_space<vmem>>, %arg5: memref<1x1x1x256xf32, #tpu.memory_space<vmem>>, %arg6: memref<256x128xf32, #tpu.memory_space<vmem>>, %arg7: memref<32x128xf32, #tpu.memory_space<vmem>>) attributes {dimension_semantics = [#tpu.dimension_semantics<arbitrary>, #tpu.dimension_semantics<arbitrary>], iteration_bounds = array<i64: 4, 16>, scalar_prefetch = 0 : i64, scratch_operands = 2 : i64, tpu.core_type = #tpu.core_type<tc>, window_params = [{transform_indices = @transform_0, window_bounds = array<i64: 1, 1, 8192, 1>}, {transform_indices = @transform_1, window_bounds = array<i64: 1, 4096, 128>}, {transform_indices = @transform_2, window_bounds = array<i64: 1, 1, 128>}, {transform_indices = @transform_3, window_bounds = array<i64: 1, 1, 1, 256>}]} {
    %get3A = arith.constant 0 : index
    %get3A_0 = arith.constant 0 : index
    %get3A_1 = arith.constant 0 : index
    %get3A_2 = vector.load %arg4[%get3A, %get3A_0, %get3A_1] : memref<1x1x128xf32, #tpu.memory_space<vmem>>, vector<1x1x128xf32>
    %get3A_3 = vector.shape_cast %get3A_2 : vector<1x1x128xf32> to vector<1x128xf32>
    %scan3A = arith.constant 0 : i32
    %scan3A_4 = arith.constant 256 : i32
    %scan3A_5 = arith.addi %scan3A, %scan3A_4 : i32
    %scan3A_6 = arith.constant 1 : i32
    scf.for %scan3A_55 = %scan3A to %scan3A_5 step %scan3A_6  : i32 {
      %mul3A = arith.constant 32 : i32
      %mul3A_56 = arith.muli %scan3A_55, %mul3A : i32
      %add3A_57 = arith.constant 0 : i32
      %add3A_58 = arith.addi %mul3A_56, %add3A_57 : i32
      %get3A_59 = arith.constant 0 : index
      %get3A_60 = arith.constant 0 : index
      %get3A_61 = arith.index_cast %add3A_58 : i32 to index
      %get3A_62 = arith.constant 0 : index
      %get3A_63 = vector.load %arg2[%get3A_59, %get3A_60, %get3A_61, %get3A_62] : memref<1x1x8192x1xi32, #tpu.memory_space<vmem>>, vector<1x1x1x1xi32>
      %get3A_64 = vector.extract %get3A_63[0, 0, 0, 0] : i32 from vector<1x1x1x1xi32>
      %get3A_65 = arith.constant 0 : index
      %get3A_66 = arith.index_cast %get3A_64 : i32 to index
      %get3A_67 = arith.constant 0 : index
      %get3A_68 = vector.load %arg3[%get3A_65, %get3A_66, %get3A_67] : memref<1x4096x128xf32, #tpu.memory_space<vmem>>, vector<1x1x128xf32>
      %get3A_69 = vector.shape_cast %get3A_68 : vector<1x1x128xf32> to vector<1x128xf32>
      %swap3A_70 = arith.constant 0 : index
      %swap3A_71 = arith.constant 0 : index
      %swap3A_72 = vector.load %arg7[%swap3A_70, %swap3A_71] : memref<32x128xf32, #tpu.memory_space<vmem>>, vector<1x128xf32>
      tpu.vector_store %arg7[%swap3A_70, %swap3A_71], %get3A_69 {strides = array<i32>} : memref<32x128xf32, #tpu.memory_space<vmem>>, vector<1x128xf32>,
      %mul3A_73 = arith.constant 32 : i32
      %mul3A_74 = arith.muli %scan3A_55, %mul3A_73 : i32
      %add3A_75 = arith.constant 1 : i32
      %add3A_76 = arith.addi %mul3A_74, %add3A_75 : i32
      %get3A_77 = arith.constant 0 : index
      %get3A_78 = arith.constant 0 : index
      %get3A_79 = arith.index_cast %add3A_76 : i32 to index
      %get3A_80 = arith.constant 0 : index
      %get3A_81 = vector.load %arg2[%get3A_77, %get3A_78, %get3A_79, %get3A_80] : memref<1x1x8192x1xi32, #tpu.memory_space<vmem>>, vector<1x1x1x1xi32>
      %get3A_82 = vector.extract %get3A_81[0, 0, 0, 0] : i32 from vector<1x1x1x1xi32>
      %get3A_83 = arith.constant 0 : index
      %get3A_84 = arith.index_cast %get3A_82 : i32 to index
      %get3A_85 = arith.constant 0 : index
      %get3A_86 = vector.load %arg3[%get3A_83, %get3A_84, %get3A_85] : memref<1x4096x128xf32, #tpu.memory_space<vmem>>, vector<1x1x128xf32>
      %get3A_87 = vector.shape_cast %get3A_86 : vector<1x1x128xf32> to vector<1x128xf32>
      %swap3A_88 = arith.constant 1 : index
      %swap3A_89 = arith.constant 0 : index
      %swap3A_90 = vector.load %arg7[%swap3A_88, %swap3A_89] : memref<32x128xf32, #tpu.memory_space<vmem>>, vector<1x128xf32>
      tpu.vector_store %arg7[%swap3A_88, %swap3A_89], %get3A_87 {strides = array<i32>} : memref<32x128xf32, #tpu.memory_space<vmem>>, vector<1x128xf32>,
      %mul3A_91 = arith.constant 32 : i32
      %mul3A_92 = arith.muli %scan3A_55, %mul3A_91 : i32
      %add3A_93 = arith.constant 2 : i32
      %add3A_94 = arith.addi %mul3A_92, %add3A_93 : i32
      %get3A_95 = arith.constant 0 : index
      %get3A_96 = arith.constant 0 : index
      %get3A_97 = arith.index_cast %add3A_94 : i32 to index
      %get3A_98 = arith.constant 0 : index
      %get3A_99 = vector.load %arg2[%get3A_95, %get3A_96, %get3A_97, %get3A_98] : memref<1x1x8192x1xi32, #tpu.memory_space<vmem>>, vector<1x1x1x1xi32>
      %get3A_100 = vector.extract %get3A_99[0, 0, 0, 0] : i32 from vector<1x1x1x1xi32>
      %get3A_101 = arith.constant 0 : index
      %get3A_102 = arith.index_cast %get3A_100 : i32 to index
      %get3A_103 = arith.constant 0 : index
      %get3A_104 = vector.load %arg3[%get3A_101, %get3A_102, %get3A_103] : memref<1x4096x128xf32, #tpu.memory_space<vmem>>, vector<1x1x128xf32>
      %get3A_105 = vector.shape_cast %get3A_104 : vector<1x1x128xf32> to vector<1x128xf32>
      %swap3A_106 = arith.constant 2 : index
      %swap3A_107 = arith.constant 0 : index
      %swap3A_108 = vector.load %arg7[%swap3A_106, %swap3A_107] : memref<32x128xf32, #tpu.memory_space<vmem>>, vector<1x128xf32>
      tpu.vector_store %arg7[%swap3A_106, %swap3A_107], %get3A_105 {strides = array<i32>} : memref<32x128xf32, #tpu.memory_space<vmem>>, vector<1x128xf32>,
      %mul3A_109 = arith.constant 32 : i32
      %mul3A_110 = arith.muli %scan3A_55, %mul3A_109 : i32
      %add3A_111 = arith.constant 3 : i32
      %add3A_112 = arith.addi %mul3A_110, %add3A_111 : i32
      %get3A_113 = arith.constant 0 : index
      %get3A_114 = arith.constant 0 : index
      %get3A_115 = arith.index_cast %add3A_112 : i32 to index
      %get3A_116 = arith.constant 0 : index
      %get3A_117 = vector.load %arg2[%get3A_113, %get3A_114, %get3A_115, %get3A_116] : memref<1x1x8192x1xi32, #tpu.memory_space<vmem>>, vector<1x1x1x1xi32>
      %get3A_118 = vector.extract %get3A_117[0, 0, 0, 0] : i32 from vector<1x1x1x1xi32>
      %get3A_119 = arith.constant 0 : index
      %get3A_120 = arith.index_cast %get3A_118 : i32 to index
      %get3A_121 = arith.constant 0 : index
      %get3A_122 = vector.load %arg3[%get3A_119, %get3A_120, %get3A_121] : memref<1x4096x128xf32, #tpu.memory_space<vmem>>, vector<1x1x128xf32>
      %get3A_123 = vector.shape_cast %get3A_122 : vector<1x1x128xf32> to vector<1x128xf32>
      %swap3A_124 = arith.constant 3 : index
      %swap3A_125 = arith.constant 0 : index
      %swap3A_126 = vector.load %arg7[%swap3A_124, %swap3A_125] : memref<32x128xf32, #tpu.memory_space<vmem>>, vector<1x128xf32>
      tpu.vector_store %arg7[%swap3A_124, %swap3A_125], %get3A_123 {strides = array<i32>} : memref<32x128xf32, #tpu.memory_space<vmem>>, vector<1x128xf32>,
      %mul3A_127 = arith.constant 32 : i32
      %mul3A_128 = arith.muli %scan3A_55, %mul3A_127 : i32
      %add3A_129 = arith.constant 4 : i32
      %add3A_130 = arith.addi %mul3A_128, %add3A_129 : i32
      %get3A_131 = arith.constant 0 : index
      %get3A_132 = arith.constant 0 : index
      %get3A_133 = arith.index_cast %add3A_130 : i32 to index
      %get3A_134 = arith.constant 0 : index
      %get3A_135 = vector.load %arg2[%get3A_131, %get3A_132, %get3A_133, %get3A_134] : memref<1x1x8192x1xi32, #tpu.memory_space<vmem>>, vector<1x1x1x1xi32>
      %get3A_136 = vector.extract %get3A_135[0, 0, 0, 0] : i32 from vector<1x1x1x1xi32>
      %get3A_137 = arith.constant 0 : index
      %get3A_138 = arith.index_cast %get3A_136 : i32 to index
      %get3A_139 = arith.constant 0 : index
      %get3A_140 = vector.load %arg3[%get3A_137, %get3A_138, %get3A_139] : memref<1x4096x128xf32, #tpu.memory_space<vmem>>, vector<1x1x128xf32>
      %get3A_141 = vector.shape_cast %get3A_140 : vector<1x1x128xf32> to vector<1x128xf32>
      %swap3A_142 = arith.constant 4 : index
      %swap3A_143 = arith.constant 0 : index
      %swap3A_144 = vector.load %arg7[%swap3A_142, %swap3A_143] : memref<32x128xf32, #tpu.memory_space<vmem>>, vector<1x128xf32>
      tpu.vector_store %arg7[%swap3A_142, %swap3A_143], %get3A_141 {strides = array<i32>} : memref<32x128xf32, #tpu.memory_space<vmem>>, vector<1x128xf32>,
      %mul3A_145 = arith.constant 32 : i32
      %mul3A_146 = arith.muli %scan3A_55, %mul3A_145 : i32
      %add3A_147 = arith.constant 5 : i32
      %add3A_148 = arith.addi %mul3A_146, %add3A_147 : i32
      %get3A_149 = arith.constant 0 : index
      %get3A_150 = arith.constant 0 : index
      %get3A_151 = arith.index_cast %add3A_148 : i32 to index
      %get3A_152 = arith.constant 0 : index
      %get3A_153 = vector.load %arg2[%get3A_149, %get3A_150, %get3A_151, %get3A_152] : memref<1x1x8192x1xi32, #tpu.memory_space<vmem>>, vector<1x1x1x1xi32>
      %get3A_154 = vector.extract %get3A_153[0, 0, 0, 0] : i32 from vector<1x1x1x1xi32>
      %get3A_155 = arith.constant 0 : index
      %get3A_156 = arith.index_cast %get3A_154 : i32 to index
      %get3A_157 = arith.constant 0 : index
      %get3A_158 = vector.load %arg3[%get3A_155, %get3A_156, %get3A_157] : memref<1x4096x128xf32, #tpu.memory_space<vmem>>, vector<1x1x128xf32>
      %get3A_159 = vector.shape_cast %get3A_158 : vector<1x1x128xf32> to vector<1x128xf32>
      %swap3A_160 = arith.constant 5 : index
      %swap3A_161 = arith.constant 0 : index
      %swap3A_162 = vector.load %arg7[%swap3A_160, %swap3A_161] : memref<32x128xf32, #tpu.memory_space<vmem>>, vector<1x128xf32>
      tpu.vector_store %arg7[%swap3A_160, %swap3A_161], %get3A_159 {strides = array<i32>} : memref<32x128xf32, #tpu.memory_space<vmem>>, vector<1x128xf32>,
      %mul3A_163 = arith.constant 32 : i32
      %mul3A_164 = arith.muli %scan3A_55, %mul3A_163 : i32
      %add3A_165 = arith.constant 6 : i32
      %add3A_166 = arith.addi %mul3A_164, %add3A_165 : i32
      %get3A_167 = arith.constant 0 : index
      %get3A_168 = arith.constant 0 : index
      %get3A_169 = arith.index_cast %add3A_166 : i32 to index
      %get3A_170 = arith.constant 0 : index
      %get3A_171 = vector.load %arg2[%get3A_167, %get3A_168, %get3A_169, %get3A_170] : memref<1x1x8192x1xi32, #tpu.memory_space<vmem>>, vector<1x1x1x1xi32>
      %get3A_172 = vector.extract %get3A_171[0, 0, 0, 0] : i32 from vector<1x1x1x1xi32>
      %get3A_173 = arith.constant 0 : index
      %get3A_174 = arith.index_cast %get3A_172 : i32 to index
      %get3A_175 = arith.constant 0 : index
      %get3A_176 = vector.load %arg3[%get3A_173, %get3A_174, %get3A_175] : memref<1x4096x128xf32, #tpu.memory_space<vmem>>, vector<1x1x128xf32>
      %get3A_177 = vector.shape_cast %get3A_176 : vector<1x1x128xf32> to vector<1x128xf32>
      %swap3A_178 = arith.constant 6 : index
      %swap3A_179 = arith.constant 0 : index
      %swap3A_180 = vector.load %arg7[%swap3A_178, %swap3A_179] : memref<32x128xf32, #tpu.memory_space<vmem>>, vector<1x128xf32>
      tpu.vector_store %arg7[%swap3A_178, %swap3A_179], %get3A_177 {strides = array<i32>} : memref<32x128xf32, #tpu.memory_space<vmem>>, vector<1x128xf32>,
      %mul3A_181 = arith.constant 32 : i32
      %mul3A_182 = arith.muli %scan3A_55, %mul3A_181 : i32
      %add3A_183 = arith.constant 7 : i32
      %add3A_184 = arith.addi %mul3A_182, %add3A_183 : i32
      %get3A_185 = arith.constant 0 : index
      %get3A_186 = arith.constant 0 : index
      %get3A_187 = arith.index_cast %add3A_184 : i32 to index
      %get3A_188 = arith.constant 0 : index
      %get3A_189 = vector.load %arg2[%get3A_185, %get3A_186, %get3A_187, %get3A_188] : memref<1x1x8192x1xi32, #tpu.memory_space<vmem>>, vector<1x1x1x1xi32>
      %get3A_190 = vector.extract %get3A_189[0, 0, 0, 0] : i32 from vector<1x1x1x1xi32>
      %get3A_191 = arith.constant 0 : index
      %get3A_192 = arith.index_cast %get3A_190 : i32 to index
      %get3A_193 = arith.constant 0 : index
      %get3A_194 = vector.load %arg3[%get3A_191, %get3A_192, %get3A_193] : memref<1x4096x128xf32, #tpu.memory_space<vmem>>, vector<1x1x128xf32>
      %get3A_195 = vector.shape_cast %get3A_194 : vector<1x1x128xf32> to vector<1x128xf32>
      %swap3A_196 = arith.constant 7 : index
      %swap3A_197 = arith.constant 0 : index
      %swap3A_198 = vector.load %arg7[%swap3A_196, %swap3A_197] : memref<32x128xf32, #tpu.memory_space<vmem>>, vector<1x128xf32>
      tpu.vector_store %arg7[%swap3A_196, %swap3A_197], %get3A_195 {strides = array<i32>} : memref<32x128xf32, #tpu.memory_space<vmem>>, vector<1x128xf32>,
      %mul3A_199 = arith.constant 32 : i32
      %mul3A_200 = arith.muli %scan3A_55, %mul3A_199 : i32
      %add3A_201 = arith.constant 8 : i32
      %add3A_202 = arith.addi %mul3A_200, %add3A_201 : i32
      %get3A_203 = arith.constant 0 : index
      %get3A_204 = arith.constant 0 : index
      %get3A_205 = arith.index_cast %add3A_202 : i32 to index
      %get3A_206 = arith.constant 0 : index
      %get3A_207 = vector.load %arg2[%get3A_203, %get3A_204, %get3A_205, %get3A_206] : memref<1x1x8192x1xi32, #tpu.memory_space<vmem>>, vector<1x1x1x1xi32>
      %get3A_208 = vector.extract %get3A_207[0, 0, 0, 0] : i32 from vector<1x1x1x1xi32>
      %get3A_209 = arith.constant 0 : index
      %get3A_210 = arith.index_cast %get3A_208 : i32 to index
      %get3A_211 = arith.constant 0 : index
      %get3A_212 = vector.load %arg3[%get3A_209, %get3A_210, %get3A_211] : memref<1x4096x128xf32, #tpu.memory_space<vmem>>, vector<1x1x128xf32>
      %get3A_213 = vector.shape_cast %get3A_212 : vector<1x1x128xf32> to vector<1x128xf32>
      %swap3A_214 = arith.constant 8 : index
      %swap3A_215 = arith.constant 0 : index
      %swap3A_216 = vector.load %arg7[%swap3A_214, %swap3A_215] : memref<32x128xf32, #tpu.memory_space<vmem>>, vector<1x128xf32>
      tpu.vector_store %arg7[%swap3A_214, %swap3A_215], %get3A_213 {strides = array<i32>} : memref<32x128xf32, #tpu.memory_space<vmem>>, vector<1x128xf32>,
      %mul3A_217 = arith.constant 32 : i32
      %mul3A_218 = arith.muli %scan3A_55, %mul3A_217 : i32
      %add3A_219 = arith.constant 9 : i32
      %add3A_220 = arith.addi %mul3A_218, %add3A_219 : i32
      %get3A_221 = arith.constant 0 : index
      %get3A_222 = arith.constant 0 : index
      %get3A_223 = arith.index_cast %add3A_220 : i32 to index
      %get3A_224 = arith.constant 0 : index
      %get3A_225 = vector.load %arg2[%get3A_221, %get3A_222, %get3A_223, %get3A_224] : memref<1x1x8192x1xi32, #tpu.memory_space<vmem>>, vector<1x1x1x1xi32>
      %get3A_226 = vector.extract %get3A_225[0, 0, 0, 0] : i32 from vector<1x1x1x1xi32>
      %get3A_227 = arith.constant 0 : index
      %get3A_228 = arith.index_cast %get3A_226 : i32 to index
      %get3A_229 = arith.constant 0 : index
      %get3A_230 = vector.load %arg3[%get3A_227, %get3A_228, %get3A_229] : memref<1x4096x128xf32, #tpu.memory_space<vmem>>, vector<1x1x128xf32>
      %get3A_231 = vector.shape_cast %get3A_230 : vector<1x1x128xf32> to vector<1x128xf32>
      %swap3A_232 = arith.constant 9 : index
      %swap3A_233 = arith.constant 0 : index
      %swap3A_234 = vector.load %arg7[%swap3A_232, %swap3A_233] : memref<32x128xf32, #tpu.memory_space<vmem>>, vector<1x128xf32>
      tpu.vector_store %arg7[%swap3A_232, %swap3A_233], %get3A_231 {strides = array<i32>} : memref<32x128xf32, #tpu.memory_space<vmem>>, vector<1x128xf32>,
      %mul3A_235 = arith.constant 32 : i32
      %mul3A_236 = arith.muli %scan3A_55, %mul3A_235 : i32
      %add3A_237 = arith.constant 10 : i32
      %add3A_238 = arith.addi %mul3A_236, %add3A_237 : i32
      %get3A_239 = arith.constant 0 : index
      %get3A_240 = arith.constant 0 : index
      %get3A_241 = arith.index_cast %add3A_238 : i32 to index
      %get3A_242 = arith.constant 0 : index
      %get3A_243 = vector.load %arg2[%get3A_239, %get3A_240, %get3A_241, %get3A_242] : memref<1x1x8192x1xi32, #tpu.memory_space<vmem>>, vector<1x1x1x1xi32>
      %get3A_244 = vector.extract %get3A_243[0, 0, 0, 0] : i32 from vector<1x1x1x1xi32>
      %get3A_245 = arith.constant 0 : index
      %get3A_246 = arith.index_cast %get3A_244 : i32 to index
      %get3A_247 = arith.constant 0 : index
      %get3A_248 = vector.load %arg3[%get3A_245, %get3A_246, %get3A_247] : memref<1x4096x128xf32, #tpu.memory_space<vmem>>, vector<1x1x128xf32>
      %get3A_249 = vector.shape_cast %get3A_248 : vector<1x1x128xf32> to vector<1x128xf32>
      %swap3A_250 = arith.constant 10 : index
      %swap3A_251 = arith.constant 0 : index
      %swap3A_252 = vector.load %arg7[%swap3A_250, %swap3A_251] : memref<32x128xf32, #tpu.memory_space<vmem>>, vector<1x128xf32>
      tpu.vector_store %arg7[%swap3A_250, %swap3A_251], %get3A_249 {strides = array<i32>} : memref<32x128xf32, #tpu.memory_space<vmem>>, vector<1x128xf32>,
      %mul3A_253 = arith.constant 32 : i32
      %mul3A_254 = arith.muli %scan3A_55, %mul3A_253 : i32
      %add3A_255 = arith.constant 11 : i32
      %add3A_256 = arith.addi %mul3A_254, %add3A_255 : i32
      %get3A_257 = arith.constant 0 : index
      %get3A_258 = arith.constant 0 : index
      %get3A_259 = arith.index_cast %add3A_256 : i32 to index
      %get3A_260 = arith.constant 0 : index
      %get3A_261 = vector.load %arg2[%get3A_257, %get3A_258, %get3A_259, %get3A_260] : memref<1x1x8192x1xi32, #tpu.memory_space<vmem>>, vector<1x1x1x1xi32>
      %get3A_262 = vector.extract %get3A_261[0, 0, 0, 0] : i32 from vector<1x1x1x1xi32>
      %get3A_263 = arith.constant 0 : index
      %get3A_264 = arith.index_cast %get3A_262 : i32 to index
      %get3A_265 = arith.constant 0 : index
      %get3A_266 = vector.load %arg3[%get3A_263, %get3A_264, %get3A_265] : memref<1x4096x128xf32, #tpu.memory_space<vmem>>, vector<1x1x128xf32>
      %get3A_267 = vector.shape_cast %get3A_266 : vector<1x1x128xf32> to vector<1x128xf32>
      %swap3A_268 = arith.constant 11 : index
      %swap3A_269 = arith.constant 0 : index
      %swap3A_270 = vector.load %arg7[%swap3A_268, %swap3A_269] : memref<32x128xf32, #tpu.memory_space<vmem>>, vector<1x128xf32>
      tpu.vector_store %arg7[%swap3A_268, %swap3A_269], %get3A_267 {strides = array<i32>} : memref<32x128xf32, #tpu.memory_space<vmem>>, vector<1x128xf32>,
      %mul3A_271 = arith.constant 32 : i32
      %mul3A_272 = arith.muli %scan3A_55, %mul3A_271 : i32
      %add3A_273 = arith.constant 12 : i32
      %add3A_274 = arith.addi %mul3A_272, %add3A_273 : i32
      %get3A_275 = arith.constant 0 : index
      %get3A_276 = arith.constant 0 : index
      %get3A_277 = arith.index_cast %add3A_274 : i32 to index
      %get3A_278 = arith.constant 0 : index
      %get3A_279 = vector.load %arg2[%get3A_275, %get3A_276, %get3A_277, %get3A_278] : memref<1x1x8192x1xi32, #tpu.memory_space<vmem>>, vector<1x1x1x1xi32>
      %get3A_280 = vector.extract %get3A_279[0, 0, 0, 0] : i32 from vector<1x1x1x1xi32>
      %get3A_281 = arith.constant 0 : index
      %get3A_282 = arith.index_cast %get3A_280 : i32 to index
      %get3A_283 = arith.constant 0 : index
      %get3A_284 = vector.load %arg3[%get3A_281, %get3A_282, %get3A_283] : memref<1x4096x128xf32, #tpu.memory_space<vmem>>, vector<1x1x128xf32>
      %get3A_285 = vector.shape_cast %get3A_284 : vector<1x1x128xf32> to vector<1x128xf32>
      %swap3A_286 = arith.constant 12 : index
      %swap3A_287 = arith.constant 0 : index
      %swap3A_288 = vector.load %arg7[%swap3A_286, %swap3A_287] : memref<32x128xf32, #tpu.memory_space<vmem>>, vector<1x128xf32>
      tpu.vector_store %arg7[%swap3A_286, %swap3A_287], %get3A_285 {strides = array<i32>} : memref<32x128xf32, #tpu.memory_space<vmem>>, vector<1x128xf32>,
      %mul3A_289 = arith.constant 32 : i32
      %mul3A_290 = arith.muli %scan3A_55, %mul3A_289 : i32
      %add3A_291 = arith.constant 13 : i32
      %add3A_292 = arith.addi %mul3A_290, %add3A_291 : i32
      %get3A_293 = arith.constant 0 : index
      %get3A_294 = arith.constant 0 : index
      %get3A_295 = arith.index_cast %add3A_292 : i32 to index
      %get3A_296 = arith.constant 0 : index
      %get3A_297 = vector.load %arg2[%get3A_293, %get3A_294, %get3A_295, %get3A_296] : memref<1x1x8192x1xi32, #tpu.memory_space<vmem>>, vector<1x1x1x1xi32>
      %get3A_298 = vector.extract %get3A_297[0, 0, 0, 0] : i32 from vector<1x1x1x1xi32>
      %get3A_299 = arith.constant 0 : index
      %get3A_300 = arith.index_cast %get3A_298 : i32 to index
      %get3A_301 = arith.constant 0 : index
      %get3A_302 = vector.load %arg3[%get3A_299, %get3A_300, %get3A_301] : memref<1x4096x128xf32, #tpu.memory_space<vmem>>, vector<1x1x128xf32>
      %get3A_303 = vector.shape_cast %get3A_302 : vector<1x1x128xf32> to vector<1x128xf32>
      %swap3A_304 = arith.constant 13 : index
      %swap3A_305 = arith.constant 0 : index
      %swap3A_306 = vector.load %arg7[%swap3A_304, %swap3A_305] : memref<32x128xf32, #tpu.memory_space<vmem>>, vector<1x128xf32>
      tpu.vector_store %arg7[%swap3A_304, %swap3A_305], %get3A_303 {strides = array<i32>} : memref<32x128xf32, #tpu.memory_space<vmem>>, vector<1x128xf32>,
      %mul3A_307 = arith.constant 32 : i32
      %mul3A_308 = arith.muli %scan3A_55, %mul3A_307 : i32
      %add3A_309 = arith.constant 14 : i32
      %add3A_310 = arith.addi %mul3A_308, %add3A_309 : i32
      %get3A_311 = arith.constant 0 : index
      %get3A_312 = arith.constant 0 : index
      %get3A_313 = arith.index_cast %add3A_310 : i32 to index
      %get3A_314 = arith.constant 0 : index
      %get3A_315 = vector.load %arg2[%get3A_311, %get3A_312, %get3A_313, %get3A_314] : memref<1x1x8192x1xi32, #tpu.memory_space<vmem>>, vector<1x1x1x1xi32>
      %get3A_316 = vector.extract %get3A_315[0, 0, 0, 0] : i32 from vector<1x1x1x1xi32>
      %get3A_317 = arith.constant 0 : index
      %get3A_318 = arith.index_cast %get3A_316 : i32 to index
      %get3A_319 = arith.constant 0 : index
      %get3A_320 = vector.load %arg3[%get3A_317, %get3A_318, %get3A_319] : memref<1x4096x128xf32, #tpu.memory_space<vmem>>, vector<1x1x128xf32>
      %get3A_321 = vector.shape_cast %get3A_320 : vector<1x1x128xf32> to vector<1x128xf32>
      %swap3A_322 = arith.constant 14 : index
      %swap3A_323 = arith.constant 0 : index
      %swap3A_324 = vector.load %arg7[%swap3A_322, %swap3A_323] : memref<32x128xf32, #tpu.memory_space<vmem>>, vector<1x128xf32>
      tpu.vector_store %arg7[%swap3A_322, %swap3A_323], %get3A_321 {strides = array<i32>} : memref<32x128xf32, #tpu.memory_space<vmem>>, vector<1x128xf32>,
      %mul3A_325 = arith.constant 32 : i32
      %mul3A_326 = arith.muli %scan3A_55, %mul3A_325 : i32
      %add3A_327 = arith.constant 15 : i32
      %add3A_328 = arith.addi %mul3A_326, %add3A_327 : i32
      %get3A_329 = arith.constant 0 : index
      %get3A_330 = arith.constant 0 : index
      %get3A_331 = arith.index_cast %add3A_328 : i32 to index
      %get3A_332 = arith.constant 0 : index
      %get3A_333 = vector.load %arg2[%get3A_329, %get3A_330, %get3A_331, %get3A_332] : memref<1x1x8192x1xi32, #tpu.memory_space<vmem>>, vector<1x1x1x1xi32>
      %get3A_334 = vector.extract %get3A_333[0, 0, 0, 0] : i32 from vector<1x1x1x1xi32>
      %get3A_335 = arith.constant 0 : index
      %get3A_336 = arith.index_cast %get3A_334 : i32 to index
      %get3A_337 = arith.constant 0 : index
      %get3A_338 = vector.load %arg3[%get3A_335, %get3A_336, %get3A_337] : memref<1x4096x128xf32, #tpu.memory_space<vmem>>, vector<1x1x128xf32>
      %get3A_339 = vector.shape_cast %get3A_338 : vector<1x1x128xf32> to vector<1x128xf32>
      %swap3A_340 = arith.constant 15 : index
      %swap3A_341 = arith.constant 0 : index
      %swap3A_342 = vector.load %arg7[%swap3A_340, %swap3A_341] : memref<32x128xf32, #tpu.memory_space<vmem>>, vector<1x128xf32>
      tpu.vector_store %arg7[%swap3A_340, %swap3A_341], %get3A_339 {strides = array<i32>} : memref<32x128xf32, #tpu.memory_space<vmem>>, vector<1x128xf32>,
      %mul3A_343 = arith.constant 32 : i32
      %mul3A_344 = arith.muli %scan3A_55, %mul3A_343 : i32
      %add3A_345 = arith.constant 16 : i32
      %add3A_346 = arith.addi %mul3A_344, %add3A_345 : i32
      %get3A_347 = arith.constant 0 : index
      %get3A_348 = arith.constant 0 : index
      %get3A_349 = arith.index_cast %add3A_346 : i32 to index
      %get3A_350 = arith.constant 0 : index
      %get3A_351 = vector.load %arg2[%get3A_347, %get3A_348, %get3A_349, %get3A_350] : memref<1x1x8192x1xi32, #tpu.memory_space<vmem>>, vector<1x1x1x1xi32>
      %get3A_352 = vector.extract %get3A_351[0, 0, 0, 0] : i32 from vector<1x1x1x1xi32>
      %get3A_353 = arith.constant 0 : index
      %get3A_354 = arith.index_cast %get3A_352 : i32 to index
      %get3A_355 = arith.constant 0 : index
      %get3A_356 = vector.load %arg3[%get3A_353, %get3A_354, %get3A_355] : memref<1x4096x128xf32, #tpu.memory_space<vmem>>, vector<1x1x128xf32>
      %get3A_357 = vector.shape_cast %get3A_356 : vector<1x1x128xf32> to vector<1x128xf32>
      %swap3A_358 = arith.constant 16 : index
      %swap3A_359 = arith.constant 0 : index
      %swap3A_360 = vector.load %arg7[%swap3A_358, %swap3A_359] : memref<32x128xf32, #tpu.memory_space<vmem>>, vector<1x128xf32>
      tpu.vector_store %arg7[%swap3A_358, %swap3A_359], %get3A_357 {strides = array<i32>} : memref<32x128xf32, #tpu.memory_space<vmem>>, vector<1x128xf32>,
      %mul3A_361 = arith.constant 32 : i32
      %mul3A_362 = arith.muli %scan3A_55, %mul3A_361 : i32
      %add3A_363 = arith.constant 17 : i32
      %add3A_364 = arith.addi %mul3A_362, %add3A_363 : i32
      %get3A_365 = arith.constant 0 : index
      %get3A_366 = arith.constant 0 : index
      %get3A_367 = arith.index_cast %add3A_364 : i32 to index
      %get3A_368 = arith.constant 0 : index
      %get3A_369 = vector.load %arg2[%get3A_365, %get3A_366, %get3A_367, %get3A_368] : memref<1x1x8192x1xi32, #tpu.memory_space<vmem>>, vector<1x1x1x1xi32>
      %get3A_370 = vector.extract %get3A_369[0, 0, 0, 0] : i32 from vector<1x1x1x1xi32>
      %get3A_371 = arith.constant 0 : index
      %get3A_372 = arith.index_cast %get3A_370 : i32 to index
      %get3A_373 = arith.constant 0 : index
      %get3A_374 = vector.load %arg3[%get3A_371, %get3A_372, %get3A_373] : memref<1x4096x128xf32, #tpu.memory_space<vmem>>, vector<1x1x128xf32>
      %get3A_375 = vector.shape_cast %get3A_374 : vector<1x1x128xf32> to vector<1x128xf32>
      %swap3A_376 = arith.constant 17 : index
      %swap3A_377 = arith.constant 0 : index
      %swap3A_378 = vector.load %arg7[%swap3A_376, %swap3A_377] : memref<32x128xf32, #tpu.memory_space<vmem>>, vector<1x128xf32>
      tpu.vector_store %arg7[%swap3A_376, %swap3A_377], %get3A_375 {strides = array<i32>} : memref<32x128xf32, #tpu.memory_space<vmem>>, vector<1x128xf32>,
      %mul3A_379 = arith.constant 32 : i32
      %mul3A_380 = arith.muli %scan3A_55, %mul3A_379 : i32
      %add3A_381 = arith.constant 18 : i32
      %add3A_382 = arith.addi %mul3A_380, %add3A_381 : i32
      %get3A_383 = arith.constant 0 : index
      %get3A_384 = arith.constant 0 : index
      %get3A_385 = arith.index_cast %add3A_382 : i32 to index
      %get3A_386 = arith.constant 0 : index
      %get3A_387 = vector.load %arg2[%get3A_383, %get3A_384, %get3A_385, %get3A_386] : memref<1x1x8192x1xi32, #tpu.memory_space<vmem>>, vector<1x1x1x1xi32>
      %get3A_388 = vector.extract %get3A_387[0, 0, 0, 0] : i32 from vector<1x1x1x1xi32>
      %get3A_389 = arith.constant 0 : index
      %get3A_390 = arith.index_cast %get3A_388 : i32 to index
      %get3A_391 = arith.constant 0 : index
      %get3A_392 = vector.load %arg3[%get3A_389, %get3A_390, %get3A_391] : memref<1x4096x128xf32, #tpu.memory_space<vmem>>, vector<1x1x128xf32>
      %get3A_393 = vector.shape_cast %get3A_392 : vector<1x1x128xf32> to vector<1x128xf32>
      %swap3A_394 = arith.constant 18 : index
      %swap3A_395 = arith.constant 0 : index
      %swap3A_396 = vector.load %arg7[%swap3A_394, %swap3A_395] : memref<32x128xf32, #tpu.memory_space<vmem>>, vector<1x128xf32>
      tpu.vector_store %arg7[%swap3A_394, %swap3A_395], %get3A_393 {strides = array<i32>} : memref<32x128xf32, #tpu.memory_space<vmem>>, vector<1x128xf32>,
      %mul3A_397 = arith.constant 32 : i32
      %mul3A_398 = arith.muli %scan3A_55, %mul3A_397 : i32
      %add3A_399 = arith.constant 19 : i32
      %add3A_400 = arith.addi %mul3A_398, %add3A_399 : i32
      %get3A_401 = arith.constant 0 : index
      %get3A_402 = arith.constant 0 : index
      %get3A_403 = arith.index_cast %add3A_400 : i32 to index
      %get3A_404 = arith.constant 0 : index
      %get3A_405 = vector.load %arg2[%get3A_401, %get3A_402, %get3A_403, %get3A_404] : memref<1x1x8192x1xi32, #tpu.memory_space<vmem>>, vector<1x1x1x1xi32>
      %get3A_406 = vector.extract %get3A_405[0, 0, 0, 0] : i32 from vector<1x1x1x1xi32>
      %get3A_407 = arith.constant 0 : index
      %get3A_408 = arith.index_cast %get3A_406 : i32 to index
      %get3A_409 = arith.constant 0 : index
      %get3A_410 = vector.load %arg3[%get3A_407, %get3A_408, %get3A_409] : memref<1x4096x128xf32, #tpu.memory_space<vmem>>, vector<1x1x128xf32>
      %get3A_411 = vector.shape_cast %get3A_410 : vector<1x1x128xf32> to vector<1x128xf32>
      %swap3A_412 = arith.constant 19 : index
      %swap3A_413 = arith.constant 0 : index
      %swap3A_414 = vector.load %arg7[%swap3A_412, %swap3A_413] : memref<32x128xf32, #tpu.memory_space<vmem>>, vector<1x128xf32>
      tpu.vector_store %arg7[%swap3A_412, %swap3A_413], %get3A_411 {strides = array<i32>} : memref<32x128xf32, #tpu.memory_space<vmem>>, vector<1x128xf32>,
      %mul3A_415 = arith.constant 32 : i32
      %mul3A_416 = arith.muli %scan3A_55, %mul3A_415 : i32
      %add3A_417 = arith.constant 20 : i32
      %add3A_418 = arith.addi %mul3A_416, %add3A_417 : i32
      %get3A_419 = arith.constant 0 : index
      %get3A_420 = arith.constant 0 : index
      %get3A_421 = arith.index_cast %add3A_418 : i32 to index
      %get3A_422 = arith.constant 0 : index
      %get3A_423 = vector.load %arg2[%get3A_419, %get3A_420, %get3A_421, %get3A_422] : memref<1x1x8192x1xi32, #tpu.memory_space<vmem>>, vector<1x1x1x1xi32>
      %get3A_424 = vector.extract %get3A_423[0, 0, 0, 0] : i32 from vector<1x1x1x1xi32>
      %get3A_425 = arith.constant 0 : index
      %get3A_426 = arith.index_cast %get3A_424 : i32 to index
      %get3A_427 = arith.constant 0 : index
      %get3A_428 = vector.load %arg3[%get3A_425, %get3A_426, %get3A_427] : memref<1x4096x128xf32, #tpu.memory_space<vmem>>, vector<1x1x128xf32>
      %get3A_429 = vector.shape_cast %get3A_428 : vector<1x1x128xf32> to vector<1x128xf32>
      %swap3A_430 = arith.constant 20 : index
      %swap3A_431 = arith.constant 0 : index
      %swap3A_432 = vector.load %arg7[%swap3A_430, %swap3A_431] : memref<32x128xf32, #tpu.memory_space<vmem>>, vector<1x128xf32>
      tpu.vector_store %arg7[%swap3A_430, %swap3A_431], %get3A_429 {strides = array<i32>} : memref<32x128xf32, #tpu.memory_space<vmem>>, vector<1x128xf32>,
      %mul3A_433 = arith.constant 32 : i32
      %mul3A_434 = arith.muli %scan3A_55, %mul3A_433 : i32
      %add3A_435 = arith.constant 21 : i32
      %add3A_436 = arith.addi %mul3A_434, %add3A_435 : i32
      %get3A_437 = arith.constant 0 : index
      %get3A_438 = arith.constant 0 : index
      %get3A_439 = arith.index_cast %add3A_436 : i32 to index
      %get3A_440 = arith.constant 0 : index
      %get3A_441 = vector.load %arg2[%get3A_437, %get3A_438, %get3A_439, %get3A_440] : memref<1x1x8192x1xi32, #tpu.memory_space<vmem>>, vector<1x1x1x1xi32>
      %get3A_442 = vector.extract %get3A_441[0, 0, 0, 0] : i32 from vector<1x1x1x1xi32>
      %get3A_443 = arith.constant 0 : index
      %get3A_444 = arith.index_cast %get3A_442 : i32 to index
      %get3A_445 = arith.constant 0 : index
      %get3A_446 = vector.load %arg3[%get3A_443, %get3A_444, %get3A_445] : memref<1x4096x128xf32, #tpu.memory_space<vmem>>, vector<1x1x128xf32>
      %get3A_447 = vector.shape_cast %get3A_446 : vector<1x1x128xf32> to vector<1x128xf32>
      %swap3A_448 = arith.constant 21 : index
      %swap3A_449 = arith.constant 0 : index
      %swap3A_450 = vector.load %arg7[%swap3A_448, %swap3A_449] : memref<32x128xf32, #tpu.memory_space<vmem>>, vector<1x128xf32>
      tpu.vector_store %arg7[%swap3A_448, %swap3A_449], %get3A_447 {strides = array<i32>} : memref<32x128xf32, #tpu.memory_space<vmem>>, vector<1x128xf32>,
      %mul3A_451 = arith.constant 32 : i32
      %mul3A_452 = arith.muli %scan3A_55, %mul3A_451 : i32
      %add3A_453 = arith.constant 22 : i32
      %add3A_454 = arith.addi %mul3A_452, %add3A_453 : i32
      %get3A_455 = arith.constant 0 : index
      %get3A_456 = arith.constant 0 : index
      %get3A_457 = arith.index_cast %add3A_454 : i32 to index
      %get3A_458 = arith.constant 0 : index
      %get3A_459 = vector.load %arg2[%get3A_455, %get3A_456, %get3A_457, %get3A_458] : memref<1x1x8192x1xi32, #tpu.memory_space<vmem>>, vector<1x1x1x1xi32>
      %get3A_460 = vector.extract %get3A_459[0, 0, 0, 0] : i32 from vector<1x1x1x1xi32>
      %get3A_461 = arith.constant 0 : index
      %get3A_462 = arith.index_cast %get3A_460 : i32 to index
      %get3A_463 = arith.constant 0 : index
      %get3A_464 = vector.load %arg3[%get3A_461, %get3A_462, %get3A_463] : memref<1x4096x128xf32, #tpu.memory_space<vmem>>, vector<1x1x128xf32>
      %get3A_465 = vector.shape_cast %get3A_464 : vector<1x1x128xf32> to vector<1x128xf32>
      %swap3A_466 = arith.constant 22 : index
      %swap3A_467 = arith.constant 0 : index
      %swap3A_468 = vector.load %arg7[%swap3A_466, %swap3A_467] : memref<32x128xf32, #tpu.memory_space<vmem>>, vector<1x128xf32>
      tpu.vector_store %arg7[%swap3A_466, %swap3A_467], %get3A_465 {strides = array<i32>} : memref<32x128xf32, #tpu.memory_space<vmem>>, vector<1x128xf32>,
      %mul3A_469 = arith.constant 32 : i32
      %mul3A_470 = arith.muli %scan3A_55, %mul3A_469 : i32
      %add3A_471 = arith.constant 23 : i32
      %add3A_472 = arith.addi %mul3A_470, %add3A_471 : i32
      %get3A_473 = arith.constant 0 : index
      %get3A_474 = arith.constant 0 : index
      %get3A_475 = arith.index_cast %add3A_472 : i32 to index
      %get3A_476 = arith.constant 0 : index
      %get3A_477 = vector.load %arg2[%get3A_473, %get3A_474, %get3A_475, %get3A_476] : memref<1x1x8192x1xi32, #tpu.memory_space<vmem>>, vector<1x1x1x1xi32>
      %get3A_478 = vector.extract %get3A_477[0, 0, 0, 0] : i32 from vector<1x1x1x1xi32>
      %get3A_479 = arith.constant 0 : index
      %get3A_480 = arith.index_cast %get3A_478 : i32 to index
      %get3A_481 = arith.constant 0 : index
      %get3A_482 = vector.load %arg3[%get3A_479, %get3A_480, %get3A_481] : memref<1x4096x128xf32, #tpu.memory_space<vmem>>, vector<1x1x128xf32>
      %get3A_483 = vector.shape_cast %get3A_482 : vector<1x1x128xf32> to vector<1x128xf32>
      %swap3A_484 = arith.constant 23 : index
      %swap3A_485 = arith.constant 0 : index
      %swap3A_486 = vector.load %arg7[%swap3A_484, %swap3A_485] : memref<32x128xf32, #tpu.memory_space<vmem>>, vector<1x128xf32>
      tpu.vector_store %arg7[%swap3A_484, %swap3A_485], %get3A_483 {strides = array<i32>} : memref<32x128xf32, #tpu.memory_space<vmem>>, vector<1x128xf32>,
      %mul3A_487 = arith.constant 32 : i32
      %mul3A_488 = arith.muli %scan3A_55, %mul3A_487 : i32
      %add3A_489 = arith.constant 24 : i32
      %add3A_490 = arith.addi %mul3A_488, %add3A_489 : i32
      %get3A_491 = arith.constant 0 : index
      %get3A_492 = arith.constant 0 : index
      %get3A_493 = arith.index_cast %add3A_490 : i32 to index
      %get3A_494 = arith.constant 0 : index
      %get3A_495 = vector.load %arg2[%get3A_491, %get3A_492, %get3A_493, %get3A_494] : memref<1x1x8192x1xi32, #tpu.memory_space<vmem>>, vector<1x1x1x1xi32>
      %get3A_496 = vector.extract %get3A_495[0, 0, 0, 0] : i32 from vector<1x1x1x1xi32>
      %get3A_497 = arith.constant 0 : index
      %get3A_498 = arith.index_cast %get3A_496 : i32 to index
      %get3A_499 = arith.constant 0 : index
      %get3A_500 = vector.load %arg3[%get3A_497, %get3A_498, %get3A_499] : memref<1x4096x128xf32, #tpu.memory_space<vmem>>, vector<1x1x128xf32>
      %get3A_501 = vector.shape_cast %get3A_500 : vector<1x1x128xf32> to vector<1x128xf32>
      %swap3A_502 = arith.constant 24 : index
      %swap3A_503 = arith.constant 0 : index
      %swap3A_504 = vector.load %arg7[%swap3A_502, %swap3A_503] : memref<32x128xf32, #tpu.memory_space<vmem>>, vector<1x128xf32>
      tpu.vector_store %arg7[%swap3A_502, %swap3A_503], %get3A_501 {strides = array<i32>} : memref<32x128xf32, #tpu.memory_space<vmem>>, vector<1x128xf32>,
      %mul3A_505 = arith.constant 32 : i32
      %mul3A_506 = arith.muli %scan3A_55, %mul3A_505 : i32
      %add3A_507 = arith.constant 25 : i32
      %add3A_508 = arith.addi %mul3A_506, %add3A_507 : i32
      %get3A_509 = arith.constant 0 : index
      %get3A_510 = arith.constant 0 : index
      %get3A_511 = arith.index_cast %add3A_508 : i32 to index
      %get3A_512 = arith.constant 0 : index
      %get3A_513 = vector.load %arg2[%get3A_509, %get3A_510, %get3A_511, %get3A_512] : memref<1x1x8192x1xi32, #tpu.memory_space<vmem>>, vector<1x1x1x1xi32>
      %get3A_514 = vector.extract %get3A_513[0, 0, 0, 0] : i32 from vector<1x1x1x1xi32>
      %get3A_515 = arith.constant 0 : index
      %get3A_516 = arith.index_cast %get3A_514 : i32 to index
      %get3A_517 = arith.constant 0 : index
      %get3A_518 = vector.load %arg3[%get3A_515, %get3A_516, %get3A_517] : memref<1x4096x128xf32, #tpu.memory_space<vmem>>, vector<1x1x128xf32>
      %get3A_519 = vector.shape_cast %get3A_518 : vector<1x1x128xf32> to vector<1x128xf32>
      %swap3A_520 = arith.constant 25 : index
      %swap3A_521 = arith.constant 0 : index
      %swap3A_522 = vector.load %arg7[%swap3A_520, %swap3A_521] : memref<32x128xf32, #tpu.memory_space<vmem>>, vector<1x128xf32>
      tpu.vector_store %arg7[%swap3A_520, %swap3A_521], %get3A_519 {strides = array<i32>} : memref<32x128xf32, #tpu.memory_space<vmem>>, vector<1x128xf32>,
      %mul3A_523 = arith.constant 32 : i32
      %mul3A_524 = arith.muli %scan3A_55, %mul3A_523 : i32
      %add3A_525 = arith.constant 26 : i32
      %add3A_526 = arith.addi %mul3A_524, %add3A_525 : i32
      %get3A_527 = arith.constant 0 : index
      %get3A_528 = arith.constant 0 : index
      %get3A_529 = arith.index_cast %add3A_526 : i32 to index
      %get3A_530 = arith.constant 0 : index
      %get3A_531 = vector.load %arg2[%get3A_527, %get3A_528, %get3A_529, %get3A_530] : memref<1x1x8192x1xi32, #tpu.memory_space<vmem>>, vector<1x1x1x1xi32>
      %get3A_532 = vector.extract %get3A_531[0, 0, 0, 0] : i32 from vector<1x1x1x1xi32>
      %get3A_533 = arith.constant 0 : index
      %get3A_534 = arith.index_cast %get3A_532 : i32 to index
      %get3A_535 = arith.constant 0 : index
      %get3A_536 = vector.load %arg3[%get3A_533, %get3A_534, %get3A_535] : memref<1x4096x128xf32, #tpu.memory_space<vmem>>, vector<1x1x128xf32>
      %get3A_537 = vector.shape_cast %get3A_536 : vector<1x1x128xf32> to vector<1x128xf32>
      %swap3A_538 = arith.constant 26 : index
      %swap3A_539 = arith.constant 0 : index
      %swap3A_540 = vector.load %arg7[%swap3A_538, %swap3A_539] : memref<32x128xf32, #tpu.memory_space<vmem>>, vector<1x128xf32>
      tpu.vector_store %arg7[%swap3A_538, %swap3A_539], %get3A_537 {strides = array<i32>} : memref<32x128xf32, #tpu.memory_space<vmem>>, vector<1x128xf32>,
      %mul3A_541 = arith.constant 32 : i32
      %mul3A_542 = arith.muli %scan3A_55, %mul3A_541 : i32
      %add3A_543 = arith.constant 27 : i32
      %add3A_544 = arith.addi %mul3A_542, %add3A_543 : i32
      %get3A_545 = arith.constant 0 : index
      %get3A_546 = arith.constant 0 : index
      %get3A_547 = arith.index_cast %add3A_544 : i32 to index
      %get3A_548 = arith.constant 0 : index
      %get3A_549 = vector.load %arg2[%get3A_545, %get3A_546, %get3A_547, %get3A_548] : memref<1x1x8192x1xi32, #tpu.memory_space<vmem>>, vector<1x1x1x1xi32>
      %get3A_550 = vector.extract %get3A_549[0, 0, 0, 0] : i32 from vector<1x1x1x1xi32>
      %get3A_551 = arith.constant 0 : index
      %get3A_552 = arith.index_cast %get3A_550 : i32 to index
      %get3A_553 = arith.constant 0 : index
      %get3A_554 = vector.load %arg3[%get3A_551, %get3A_552, %get3A_553] : memref<1x4096x128xf32, #tpu.memory_space<vmem>>, vector<1x1x128xf32>
      %get3A_555 = vector.shape_cast %get3A_554 : vector<1x1x128xf32> to vector<1x128xf32>
      %swap3A_556 = arith.constant 27 : index
      %swap3A_557 = arith.constant 0 : index
      %swap3A_558 = vector.load %arg7[%swap3A_556, %swap3A_557] : memref<32x128xf32, #tpu.memory_space<vmem>>, vector<1x128xf32>
      tpu.vector_store %arg7[%swap3A_556, %swap3A_557], %get3A_555 {strides = array<i32>} : memref<32x128xf32, #tpu.memory_space<vmem>>, vector<1x128xf32>,
      %mul3A_559 = arith.constant 32 : i32
      %mul3A_560 = arith.muli %scan3A_55, %mul3A_559 : i32
      %add3A_561 = arith.constant 28 : i32
      %add3A_562 = arith.addi %mul3A_560, %add3A_561 : i32
      %get3A_563 = arith.constant 0 : index
      %get3A_564 = arith.constant 0 : index
      %get3A_565 = arith.index_cast %add3A_562 : i32 to index
      %get3A_566 = arith.constant 0 : index
      %get3A_567 = vector.load %arg2[%get3A_563, %get3A_564, %get3A_565, %get3A_566] : memref<1x1x8192x1xi32, #tpu.memory_space<vmem>>, vector<1x1x1x1xi32>
      %get3A_568 = vector.extract %get3A_567[0, 0, 0, 0] : i32 from vector<1x1x1x1xi32>
      %get3A_569 = arith.constant 0 : index
      %get3A_570 = arith.index_cast %get3A_568 : i32 to index
      %get3A_571 = arith.constant 0 : index
      %get3A_572 = vector.load %arg3[%get3A_569, %get3A_570, %get3A_571] : memref<1x4096x128xf32, #tpu.memory_space<vmem>>, vector<1x1x128xf32>
      %get3A_573 = vector.shape_cast %get3A_572 : vector<1x1x128xf32> to vector<1x128xf32>
      %swap3A_574 = arith.constant 28 : index
      %swap3A_575 = arith.constant 0 : index
      %swap3A_576 = vector.load %arg7[%swap3A_574, %swap3A_575] : memref<32x128xf32, #tpu.memory_space<vmem>>, vector<1x128xf32>
      tpu.vector_store %arg7[%swap3A_574, %swap3A_575], %get3A_573 {strides = array<i32>} : memref<32x128xf32, #tpu.memory_space<vmem>>, vector<1x128xf32>,
      %mul3A_577 = arith.constant 32 : i32
      %mul3A_578 = arith.muli %scan3A_55, %mul3A_577 : i32
      %add3A_579 = arith.constant 29 : i32
      %add3A_580 = arith.addi %mul3A_578, %add3A_579 : i32
      %get3A_581 = arith.constant 0 : index
      %get3A_582 = arith.constant 0 : index
      %get3A_583 = arith.index_cast %add3A_580 : i32 to index
      %get3A_584 = arith.constant 0 : index
      %get3A_585 = vector.load %arg2[%get3A_581, %get3A_582, %get3A_583, %get3A_584] : memref<1x1x8192x1xi32, #tpu.memory_space<vmem>>, vector<1x1x1x1xi32>
      %get3A_586 = vector.extract %get3A_585[0, 0, 0, 0] : i32 from vector<1x1x1x1xi32>
      %get3A_587 = arith.constant 0 : index
      %get3A_588 = arith.index_cast %get3A_586 : i32 to index
      %get3A_589 = arith.constant 0 : index
      %get3A_590 = vector.load %arg3[%get3A_587, %get3A_588, %get3A_589] : memref<1x4096x128xf32, #tpu.memory_space<vmem>>, vector<1x1x128xf32>
      %get3A_591 = vector.shape_cast %get3A_590 : vector<1x1x128xf32> to vector<1x128xf32>
      %swap3A_592 = arith.constant 29 : index
      %swap3A_593 = arith.constant 0 : index
      %swap3A_594 = vector.load %arg7[%swap3A_592, %swap3A_593] : memref<32x128xf32, #tpu.memory_space<vmem>>, vector<1x128xf32>
      tpu.vector_store %arg7[%swap3A_592, %swap3A_593], %get3A_591 {strides = array<i32>} : memref<32x128xf32, #tpu.memory_space<vmem>>, vector<1x128xf32>,
      %mul3A_595 = arith.constant 32 : i32
      %mul3A_596 = arith.muli %scan3A_55, %mul3A_595 : i32
      %add3A_597 = arith.constant 30 : i32
      %add3A_598 = arith.addi %mul3A_596, %add3A_597 : i32
      %get3A_599 = arith.constant 0 : index
      %get3A_600 = arith.constant 0 : index
      %get3A_601 = arith.index_cast %add3A_598 : i32 to index
      %get3A_602 = arith.constant 0 : index
      %get3A_603 = vector.load %arg2[%get3A_599, %get3A_600, %get3A_601, %get3A_602] : memref<1x1x8192x1xi32, #tpu.memory_space<vmem>>, vector<1x1x1x1xi32>
      %get3A_604 = vector.extract %get3A_603[0, 0, 0, 0] : i32 from vector<1x1x1x1xi32>
      %get3A_605 = arith.constant 0 : index
      %get3A_606 = arith.index_cast %get3A_604 : i32 to index
      %get3A_607 = arith.constant 0 : index
      %get3A_608 = vector.load %arg3[%get3A_605, %get3A_606, %get3A_607] : memref<1x4096x128xf32, #tpu.memory_space<vmem>>, vector<1x1x128xf32>
      %get3A_609 = vector.shape_cast %get3A_608 : vector<1x1x128xf32> to vector<1x128xf32>
      %swap3A_610 = arith.constant 30 : index
      %swap3A_611 = arith.constant 0 : index
      %swap3A_612 = vector.load %arg7[%swap3A_610, %swap3A_611] : memref<32x128xf32, #tpu.memory_space<vmem>>, vector<1x128xf32>
      tpu.vector_store %arg7[%swap3A_610, %swap3A_611], %get3A_609 {strides = array<i32>} : memref<32x128xf32, #tpu.memory_space<vmem>>, vector<1x128xf32>,
      %mul3A_613 = arith.constant 32 : i32
      %mul3A_614 = arith.muli %scan3A_55, %mul3A_613 : i32
      %add3A_615 = arith.constant 31 : i32
      %add3A_616 = arith.addi %mul3A_614, %add3A_615 : i32
      %get3A_617 = arith.constant 0 : index
      %get3A_618 = arith.constant 0 : index
      %get3A_619 = arith.index_cast %add3A_616 : i32 to index
      %get3A_620 = arith.constant 0 : index
      %get3A_621 = vector.load %arg2[%get3A_617, %get3A_618, %get3A_619, %get3A_620] : memref<1x1x8192x1xi32, #tpu.memory_space<vmem>>, vector<1x1x1x1xi32>
      %get3A_622 = vector.extract %get3A_621[0, 0, 0, 0] : i32 from vector<1x1x1x1xi32>
      %get3A_623 = arith.constant 0 : index
      %get3A_624 = arith.index_cast %get3A_622 : i32 to index
      %get3A_625 = arith.constant 0 : index
      %get3A_626 = vector.load %arg3[%get3A_623, %get3A_624, %get3A_625] : memref<1x4096x128xf32, #tpu.memory_space<vmem>>, vector<1x1x128xf32>
      %get3A_627 = vector.shape_cast %get3A_626 : vector<1x1x128xf32> to vector<1x128xf32>
      %swap3A_628 = arith.constant 31 : index
      %swap3A_629 = arith.constant 0 : index
      %swap3A_630 = vector.load %arg7[%swap3A_628, %swap3A_629] : memref<32x128xf32, #tpu.memory_space<vmem>>, vector<1x128xf32>
      tpu.vector_store %arg7[%swap3A_628, %swap3A_629], %get3A_627 {strides = array<i32>} : memref<32x128xf32, #tpu.memory_space<vmem>>, vector<1x128xf32>,
      %get3A_631 = arith.constant 0 : index
      %get3A_632 = arith.constant 0 : index
      %get3A_633 = vector.load %arg7[%get3A_631, %get3A_632] : memref<32x128xf32, #tpu.memory_space<vmem>>, vector<32x128xf32>
      %slice3A_634 = vector.extract_strided_slice %get3A_633 {offsets = [0, 0], sizes = [8, 128], strides = [1, 1]} : vector<32x128xf32> to vector<8x128xf32>
      %slice3A_635 = vector.extract_strided_slice %get3A_633 {offsets = [8, 0], sizes = [8, 128], strides = [1, 1]} : vector<32x128xf32> to vector<8x128xf32>
      %add3A_636 = arith.addf %slice3A_634, %slice3A_635 : vector<8x128xf32>
      %slice3A_637 = vector.extract_strided_slice %get3A_633 {offsets = [16, 0], sizes = [8, 128], strides = [1, 1]} : vector<32x128xf32> to vector<8x128xf32>
      %add3A_638 = arith.addf %add3A_636, %slice3A_637 : vector<8x128xf32>
      %slice3A_639 = vector.extract_strided_slice %get3A_633 {offsets = [24, 0], sizes = [8, 128], strides = [1, 1]} : vector<32x128xf32> to vector<8x128xf32>
      %add3A_640 = arith.addf %add3A_638, %slice3A_639 : vector<8x128xf32>
      %slice3A_641 = vector.extract_strided_slice %add3A_640 {offsets = [0, 0], sizes = [4, 128], strides = [1, 1]} : vector<8x128xf32> to vector<4x128xf32>
      %slice3A_642 = vector.extract_strided_slice %add3A_640 {offsets = [4, 0], sizes = [4, 128], strides = [1, 1]} : vector<8x128xf32> to vector<4x128xf32>
      %add3A_643 = arith.addf %slice3A_641, %slice3A_642 : vector<4x128xf32>
      %slice3A_644 = vector.extract_strided_slice %add3A_643 {offsets = [0, 0], sizes = [2, 128], strides = [1, 1]} : vector<4x128xf32> to vector<2x128xf32>
      %slice3A_645 = vector.extract_strided_slice %add3A_643 {offsets = [2, 0], sizes = [2, 128], strides = [1, 1]} : vector<4x128xf32> to vector<2x128xf32>
      %add3A_646 = arith.addf %slice3A_644, %slice3A_645 : vector<2x128xf32>
      %slice3A_647 = vector.extract_strided_slice %add3A_646 {offsets = [0, 0], sizes = [1, 128], strides = [1, 1]} : vector<2x128xf32> to vector<1x128xf32>
      %slice3A_648 = vector.extract_strided_slice %add3A_646 {offsets = [1, 0], sizes = [1, 128], strides = [1, 1]} : vector<2x128xf32> to vector<1x128xf32>
      %add3A_649 = arith.addf %slice3A_647, %slice3A_648 : vector<1x128xf32>
      %mul3A_650 = arith.constant 3.125000e-02 : f32
      %mul3A_651 = vector.broadcast %mul3A_650 : f32 to vector<1x128xf32>
      %mul3A_652 = arith.mulf %add3A_649, %mul3A_651 : vector<1x128xf32>
      %sub3A = vector.broadcast %mul3A_652 : vector<1x128xf32> to vector<32x128xf32>
      %sub3A_653 = arith.subf %get3A_633, %sub3A : vector<32x128xf32>
      %mul3A_654 = arith.mulf %sub3A_653, %sub3A_653 : vector<32x128xf32>
      %slice3A_655 = vector.extract_strided_slice %mul3A_654 {offsets = [0, 0], sizes = [8, 128], strides = [1, 1]} : vector<32x128xf32> to vector<8x128xf32>
      %slice3A_656 = vector.extract_strided_slice %mul3A_654 {offsets = [8, 0], sizes = [8, 128], strides = [1, 1]} : vector<32x128xf32> to vector<8x128xf32>
      %add3A_657 = arith.addf %slice3A_655, %slice3A_656 : vector<8x128xf32>
      %slice3A_658 = vector.extract_strided_slice %mul3A_654 {offsets = [16, 0], sizes = [8, 128], strides = [1, 1]} : vector<32x128xf32> to vector<8x128xf32>
      %add3A_659 = arith.addf %add3A_657, %slice3A_658 : vector<8x128xf32>
      %slice3A_660 = vector.extract_strided_slice %mul3A_654 {offsets = [24, 0], sizes = [8, 128], strides = [1, 1]} : vector<32x128xf32> to vector<8x128xf32>
      %add3A_661 = arith.addf %add3A_659, %slice3A_660 : vector<8x128xf32>
      %slice3A_662 = vector.extract_strided_slice %add3A_661 {offsets = [0, 0], sizes = [4, 128], strides = [1, 1]} : vector<8x128xf32> to vector<4x128xf32>
      %slice3A_663 = vector.extract_strided_slice %add3A_661 {offsets = [4, 0], sizes = [4, 128], strides = [1, 1]} : vector<8x128xf32> to vector<4x128xf32>
      %add3A_664 = arith.addf %slice3A_662, %slice3A_663 : vector<4x128xf32>
      %slice3A_665 = vector.extract_strided_slice %add3A_664 {offsets = [0, 0], sizes = [2, 128], strides = [1, 1]} : vector<4x128xf32> to vector<2x128xf32>
      %slice3A_666 = vector.extract_strided_slice %add3A_664 {offsets = [2, 0], sizes = [2, 128], strides = [1, 1]} : vector<4x128xf32> to vector<2x128xf32>
      %add3A_667 = arith.addf %slice3A_665, %slice3A_666 : vector<2x128xf32>
      %slice3A_668 = vector.extract_strided_slice %add3A_667 {offsets = [0, 0], sizes = [1, 128], strides = [1, 1]} : vector<2x128xf32> to vector<1x128xf32>
      %slice3A_669 = vector.extract_strided_slice %add3A_667 {offsets = [1, 0], sizes = [1, 128], strides = [1, 1]} : vector<2x128xf32> to vector<1x128xf32>
      %add3A_670 = arith.addf %slice3A_668, %slice3A_669 : vector<1x128xf32>
      %mul3A_671 = arith.constant 0.0322580636 : f32
      %mul3A_672 = vector.broadcast %mul3A_671 : f32 to vector<1x128xf32>
      %mul3A_673 = arith.mulf %add3A_670, %mul3A_672 : vector<1x128xf32>
      %sqrt3A = math.sqrt %mul3A_673 : vector<1x128xf32>
      %div3A = arith.divf %sqrt3A, %get3A_3 : vector<1x128xf32>
      %swap3A_674 = arith.index_cast %scan3A_55 : i32 to index
      %swap3A_675 = arith.constant 0 : index
      %swap3A_676 = vector.load %arg6[%swap3A_674, %swap3A_675] : memref<256x128xf32, #tpu.memory_space<vmem>>, vector<1x128xf32>
      tpu.vector_store %arg6[%swap3A_674, %swap3A_675], %div3A {strides = array<i32>} : memref<256x128xf32, #tpu.memory_space<vmem>>, vector<1x128xf32>,
    }
    %scan3A_7 = arith.constant 256 : i32
    %get3A_8 = arith.constant 0 : index
    %get3A_9 = arith.constant 0 : index
    %get3A_10 = vector.load %arg6[%get3A_8, %get3A_9] : memref<256x128xf32, #tpu.memory_space<vmem>>, vector<256x128xf32>
    %transpose3A = tpu.transpose %get3A_10, [1, 0] : vector<256x128xf32> -> vector<128x256xf32>
    %slice3A = vector.extract_strided_slice %transpose3A {offsets = [0, 0], sizes = [8, 256], strides = [1, 1]} : vector<128x256xf32> to vector<8x256xf32>
    %slice3A_11 = vector.extract_strided_slice %transpose3A {offsets = [8, 0], sizes = [8, 256], strides = [1, 1]} : vector<128x256xf32> to vector<8x256xf32>
    %add3A = arith.addf %slice3A, %slice3A_11 : vector<8x256xf32>
    %slice3A_12 = vector.extract_strided_slice %transpose3A {offsets = [16, 0], sizes = [8, 256], strides = [1, 1]} : vector<128x256xf32> to vector<8x256xf32>
    %add3A_13 = arith.addf %add3A, %slice3A_12 : vector<8x256xf32>
    %slice3A_14 = vector.extract_strided_slice %transpose3A {offsets = [24, 0], sizes = [8, 256], strides = [1, 1]} : vector<128x256xf32> to vector<8x256xf32>
    %add3A_15 = arith.addf %add3A_13, %slice3A_14 : vector<8x256xf32>
    %slice3A_16 = vector.extract_strided_slice %transpose3A {offsets = [32, 0], sizes = [8, 256], strides = [1, 1]} : vector<128x256xf32> to vector<8x256xf32>
    %add3A_17 = arith.addf %add3A_15, %slice3A_16 : vector<8x256xf32>
    %slice3A_18 = vector.extract_strided_slice %transpose3A {offsets = [40, 0], sizes = [8, 256], strides = [1, 1]} : vector<128x256xf32> to vector<8x256xf32>
    %add3A_19 = arith.addf %add3A_17, %slice3A_18 : vector<8x256xf32>
    %slice3A_20 = vector.extract_strided_slice %transpose3A {offsets = [48, 0], sizes = [8, 256], strides = [1, 1]} : vector<128x256xf32> to vector<8x256xf32>
    %add3A_21 = arith.addf %add3A_19, %slice3A_20 : vector<8x256xf32>
    %slice3A_22 = vector.extract_strided_slice %transpose3A {offsets = [56, 0], sizes = [8, 256], strides = [1, 1]} : vector<128x256xf32> to vector<8x256xf32>
    %add3A_23 = arith.addf %add3A_21, %slice3A_22 : vector<8x256xf32>
    %slice3A_24 = vector.extract_strided_slice %transpose3A {offsets = [64, 0], sizes = [8, 256], strides = [1, 1]} : vector<128x256xf32> to vector<8x256xf32>
    %add3A_25 = arith.addf %add3A_23, %slice3A_24 : vector<8x256xf32>
    %slice3A_26 = vector.extract_strided_slice %transpose3A {offsets = [72, 0], sizes = [8, 256], strides = [1, 1]} : vector<128x256xf32> to vector<8x256xf32>
    %add3A_27 = arith.addf %add3A_25, %slice3A_26 : vector<8x256xf32>
    %slice3A_28 = vector.extract_strided_slice %transpose3A {offsets = [80, 0], sizes = [8, 256], strides = [1, 1]} : vector<128x256xf32> to vector<8x256xf32>
    %add3A_29 = arith.addf %add3A_27, %slice3A_28 : vector<8x256xf32>
    %slice3A_30 = vector.extract_strided_slice %transpose3A {offsets = [88, 0], sizes = [8, 256], strides = [1, 1]} : vector<128x256xf32> to vector<8x256xf32>
    %add3A_31 = arith.addf %add3A_29, %slice3A_30 : vector<8x256xf32>
    %slice3A_32 = vector.extract_strided_slice %transpose3A {offsets = [96, 0], sizes = [8, 256], strides = [1, 1]} : vector<128x256xf32> to vector<8x256xf32>
    %add3A_33 = arith.addf %add3A_31, %slice3A_32 : vector<8x256xf32>
    %slice3A_34 = vector.extract_strided_slice %transpose3A {offsets = [104, 0], sizes = [8, 256], strides = [1, 1]} : vector<128x256xf32> to vector<8x256xf32>
    %add3A_35 = arith.addf %add3A_33, %slice3A_34 : vector<8x256xf32>
    %slice3A_36 = vector.extract_strided_slice %transpose3A {offsets = [112, 0], sizes = [8, 256], strides = [1, 1]} : vector<128x256xf32> to vector<8x256xf32>
    %add3A_37 = arith.addf %add3A_35, %slice3A_36 : vector<8x256xf32>
    %slice3A_38 = vector.extract_strided_slice %transpose3A {offsets = [120, 0], sizes = [8, 256], strides = [1, 1]} : vector<128x256xf32> to vector<8x256xf32>
    %add3A_39 = arith.addf %add3A_37, %slice3A_38 : vector<8x256xf32>
    %slice3A_40 = vector.extract_strided_slice %add3A_39 {offsets = [0, 0], sizes = [4, 256], strides = [1, 1]} : vector<8x256xf32> to vector<4x256xf32>
    %slice3A_41 = vector.extract_strided_slice %add3A_39 {offsets = [4, 0], sizes = [4, 256], strides = [1, 1]} : vector<8x256xf32> to vector<4x256xf32>
    %add3A_42 = arith.addf %slice3A_40, %slice3A_41 : vector<4x256xf32>
    %slice3A_43 = vector.extract_strided_slice %add3A_42 {offsets = [0, 0], sizes = [2, 256], strides = [1, 1]} : vector<4x256xf32> to vector<2x256xf32>
    %slice3A_44 = vector.extract_strided_slice %add3A_42 {offsets = [2, 0], sizes = [2, 256], strides = [1, 1]} : vector<4x256xf32> to vector<2x256xf32>
    %add3A_45 = arith.addf %slice3A_43, %slice3A_44 : vector<2x256xf32>
    %slice3A_46 = vector.extract_strided_slice %add3A_45 {offsets = [0, 0], sizes = [1, 256], strides = [1, 1]} : vector<2x256xf32> to vector<1x256xf32>
    %slice3A_47 = vector.extract_strided_slice %add3A_45 {offsets = [1, 0], sizes = [1, 256], strides = [1, 1]} : vector<2x256xf32> to vector<1x256xf32>
    %add3A_48 = arith.addf %slice3A_46, %slice3A_47 : vector<1x256xf32>
    %swap3A = arith.constant 0 : index
    %swap3A_49 = arith.constant 0 : index
    %swap3A_50 = arith.constant 0 : index
    %swap3A_51 = arith.constant 0 : index
    %swap3A_52 = vector.load %arg5[%swap3A, %swap3A_49, %swap3A_50, %swap3A_51] : memref<1x1x1x256xf32, #tpu.memory_space<vmem>>, vector<1x1x1x256xf32>
    %swap3A_53 = vector.shape_cast %swap3A_52 : vector<1x1x1x256xf32> to vector<1x256xf32>
    %swap3A_54 = vector.shape_cast %add3A_48 : vector<1x256xf32> to vector<1x1x1x256xf32>
    tpu.vector_store %arg5[%swap3A, %swap3A_49, %swap3A_50, %swap3A_51], %swap3A_54 {strides = array<i32>} : memref<1x1x1x256xf32, #tpu.memory_space<vmem>>, vector<1x1x1x256xf32>,
    return
  }
  func.func @transform_0(%arg0: i32, %arg1: i32) -> (i32, i32, i32, i32) {
    %c0_i32 = arith.constant 0 : i32
    %c0_i32_0 = arith.constant 0 : i32
    %c0_i32_1 = arith.constant 0 : i32
    return %arg0, %arg1, %c0_i32, %c0_i32_0 : i32, i32, i32, i32
  }
  func.func @transform_1(%arg0: i32, %arg1: i32) -> (i32, i32, i32) {
    %c0_i32 = arith.constant 0 : i32
    %c0_i32_0 = arith.constant 0 : i32
    %c0_i32_1 = arith.constant 0 : i32
    return %arg0, %c0_i32, %c0_i32_0 : i32, i32, i32
  }
  func.func @transform_2(%arg0: i32, %arg1: i32) -> (i32, i32, i32) {
    %c0_i32 = arith.constant 0 : i32
    %c0_i32_0 = arith.constant 0 : i32
    %c0_i32_1 = arith.constant 0 : i32
    return %arg0, %c0_i32, %c0_i32_0 : i32, i32, i32
  }
  func.func @transform_3(%arg0: i32, %arg1: i32) -> (i32, i32, i32, i32) {
    %c0_i32 = arith.constant 0 : i32
    %c0_i32_0 = arith.constant 0 : i32
    %c0_i32_1 = arith.constant 0 : i32
    return %arg0, %arg1, %c0_i32, %c0_i32_0 : i32, i32, i32, i32
  }
}

module attributes {stable_mosaic.version = 14 : i64} {
  func.func @_sel_kernel(%arg0: i32, %arg1: memref<1x32x128xf32, #tpu.memory_space<vmem>>, %arg2: memref<1x2048x1xi32, #tpu.memory_space<vmem>>) attributes {dimension_semantics = [#tpu.dimension_semantics<arbitrary>], iteration_bounds = array<i64: 4>, scalar_prefetch = 0 : i64, scratch_operands = 0 : i64, tpu.core_type = #tpu.core_type<tc>, window_params = [{transform_indices = @transform_0, window_bounds = array<i64: 1, 32, 128>}, {transform_indices = @transform_1, window_bounds = array<i64: 1, 2048, 1>}]} {
    %get3A = arith.constant 0 : index
    %get3A_0 = arith.constant 0 : index
    %get3A_1 = arith.constant 0 : index
    %get3A_2 = vector.load %arg1[%get3A, %get3A_0, %get3A_1] : memref<1x32x128xf32, #tpu.memory_space<vmem>>, vector<1x32x128xf32>
    %get3A_3 = vector.shape_cast %get3A_2 : vector<1x32x128xf32> to vector<32x128xf32>
    %iota3A = tpu.iota {dimensions = array<i32: 0>} : vector<32x128xi32>
    %mul3A = arith.constant 128 : i32
    %mul3A_4 = vector.broadcast %mul3A : i32 to vector<32x128xi32>
    %mul3A_5 = arith.muli %iota3A, %mul3A_4 : vector<32x128xi32>
    %iota3A_6 = tpu.iota {dimensions = array<i32: 1>} : vector<32x128xi32>
    %add3A = arith.addi %mul3A_5, %iota3A_6 : vector<32x128xi32>
    %scan3A = arith.constant 0 : i32
    %scan3A_7 = arith.constant 2048 : i32
    %scan3A_8 = arith.addi %scan3A, %scan3A_7 : i32
    %scan3A_9 = arith.constant 1 : i32
    %scan3A_10 = scf.for %scan3A_12 = %scan3A to %scan3A_8 step %scan3A_9 iter_args(%scan3A_13 = %get3A_3) -> (vector<32x128xf32>)  : i32 {
      %reduce_max3A = arith.constant dense<0xFF800000> : vector<32xf32>
      %reduce_max3A_14 = vector.multi_reduction <maximumf>, %scan3A_13, %reduce_max3A [1] : vector<32x128xf32> to vector<32xf32>
      %broadcast_in_dim3A = vector.shape_cast %reduce_max3A_14 : vector<32xf32> to vector<32x1xf32>
      %reduce_max3A_15 = arith.constant dense<0xFF800000> : vector<1xf32>
      %reduce_max3A_16 = vector.multi_reduction <maximumf>, %broadcast_in_dim3A, %reduce_max3A_15 [0] : vector<32x1xf32> to vector<1xf32>
      %broadcast_in_dim3A_17 = vector.shape_cast %reduce_max3A_16 : vector<1xf32> to vector<1x1xf32>
      %eq3A = vector.broadcast %broadcast_in_dim3A_17 : vector<1x1xf32> to vector<32x128xf32>
      %eq3A_18 = arith.cmpf oeq, %scan3A_13, %eq3A : vector<32x128xf32>
      %jit3A = arith.constant 4096 : i32
      %broadcast_in_dim3A_19 = vector.broadcast %jit3A : i32 to vector<32x128xi32>
      %select_n3A = arith.select %eq3A_18, %add3A, %broadcast_in_dim3A_19 : vector<32x128xi1>, vector<32x128xi32>
      %reduce_min3A = arith.constant dense<2147483647> : vector<32xi32>
      %reduce_min3A_20 = vector.multi_reduction <minsi>, %select_n3A, %reduce_min3A [1] : vector<32x128xi32> to vector<32xi32>
      %broadcast_in_dim3A_21 = vector.shape_cast %reduce_min3A_20 : vector<32xi32> to vector<32x1xi32>
      %reduce_min3A_22 = arith.constant dense<2147483647> : vector<1xi32>
      %reduce_min3A_23 = vector.multi_reduction <minsi>, %broadcast_in_dim3A_21, %reduce_min3A_22 [0] : vector<32x1xi32> to vector<1xi32>
      %broadcast_in_dim3A_24 = vector.shape_cast %reduce_min3A_23 : vector<1xi32> to vector<1x1xi32>
      %swap3A = arith.constant 0 : index
      %swap3A_25 = arith.index_cast %scan3A_12 : i32 to index
      %swap3A_26 = arith.constant 0 : index
      %swap3A_27 = vector.load %arg2[%swap3A, %swap3A_25, %swap3A_26] : memref<1x2048x1xi32, #tpu.memory_space<vmem>>, vector<1x1x1xi32>
      %swap3A_28 = vector.shape_cast %swap3A_27 : vector<1x1x1xi32> to vector<1x1xi32>
      %swap3A_29 = vector.shape_cast %broadcast_in_dim3A_24 : vector<1x1xi32> to vector<1x1x1xi32>
      tpu.vector_store %arg2[%swap3A, %swap3A_25, %swap3A_26], %swap3A_29 {strides = array<i32>} : memref<1x2048x1xi32, #tpu.memory_space<vmem>>, vector<1x1x1xi32>,
      %eq3A_30 = vector.broadcast %broadcast_in_dim3A_24 : vector<1x1xi32> to vector<32x128xi32>
      %eq3A_31 = arith.cmpi eq, %add3A, %eq3A_30 : vector<32x128xi32>
      %neg3A = arith.constant 0.000000e+00 : f32
      %neg3A_32 = arith.constant 0x7F800000 : f32
      %neg3A_33 = arith.subf %neg3A, %neg3A_32 : f32
      %broadcast_in_dim3A_34 = vector.broadcast %neg3A_33 : f32 to vector<32x128xf32>
      %select_n3A_35 = arith.select %eq3A_31, %broadcast_in_dim3A_34, %scan3A_13 : vector<32x128xi1>, vector<32x128xf32>
      scf.yield %select_n3A_35 : vector<32x128xf32>
    }
    %scan3A_11 = arith.constant 2048 : i32
    return
  }
  func.func @transform_0(%arg0: i32) -> (i32, i32, i32) {
    %c0_i32 = arith.constant 0 : i32
    %c0_i32_0 = arith.constant 0 : i32
    %c0_i32_1 = arith.constant 0 : i32
    return %arg0, %c0_i32, %c0_i32_0 : i32, i32, i32
  }
  func.func @transform_1(%arg0: i32) -> (i32, i32, i32) {
    %c0_i32 = arith.constant 0 : i32
    %c0_i32_0 = arith.constant 0 : i32
    %c0_i32_1 = arith.constant 0 : i32
    return %arg0, %c0_i32, %c0_i32_0 : i32, i32, i32
  }
}

module attributes {stable_mosaic.version = 14 : i64} {
  func.func @_gather_kernel(%arg0: i32, %arg1: memref<1x2048x1xi32, #tpu.memory_space<vmem>>, %arg2: memref<1x4096x128xf32, #tpu.memory_space<vmem>>, %arg3: memref<1x4096x128xf32, #tpu.memory_space<vmem>>, %arg4: memref<1x2048x128xf32, #tpu.memory_space<vmem>>, %arg5: memref<1x2048x128xf32, #tpu.memory_space<vmem>>) attributes {dimension_semantics = [#tpu.dimension_semantics<arbitrary>], iteration_bounds = array<i64: 4>, scalar_prefetch = 0 : i64, scratch_operands = 0 : i64, tpu.core_type = #tpu.core_type<tc>, window_params = [{transform_indices = @transform_0, window_bounds = array<i64: 1, 2048, 1>}, {transform_indices = @transform_1, window_bounds = array<i64: 1, 4096, 128>}, {transform_indices = @transform_2, window_bounds = array<i64: 1, 4096, 128>}, {transform_indices = @transform_3, window_bounds = array<i64: 1, 2048, 128>}, {transform_indices = @transform_4, window_bounds = array<i64: 1, 2048, 128>}]} {
    %scan3A = arith.constant 0 : i32
    %scan3A_0 = arith.constant 2048 : i32
    %scan3A_1 = arith.addi %scan3A, %scan3A_0 : i32
    %scan3A_2 = arith.constant 1 : i32
    scf.for %scan3A_4 = %scan3A to %scan3A_1 step %scan3A_2  : i32 {
      %get3A = arith.constant 0 : index
      %get3A_5 = arith.index_cast %scan3A_4 : i32 to index
      %get3A_6 = arith.constant 0 : index
      %get3A_7 = vector.load %arg1[%get3A, %get3A_5, %get3A_6] : memref<1x2048x1xi32, #tpu.memory_space<vmem>>, vector<1x1x1xi32>
      %get3A_8 = vector.extract %get3A_7[0, 0, 0] : i32 from vector<1x1x1xi32>
      %get3A_9 = arith.constant 0 : index
      %get3A_10 = arith.index_cast %get3A_8 : i32 to index
      %get3A_11 = arith.constant 0 : index
      %get3A_12 = vector.load %arg2[%get3A_9, %get3A_10, %get3A_11] : memref<1x4096x128xf32, #tpu.memory_space<vmem>>, vector<1x1x128xf32>
      %get3A_13 = vector.shape_cast %get3A_12 : vector<1x1x128xf32> to vector<1x128xf32>
      %swap3A = arith.constant 0 : index
      %swap3A_14 = arith.index_cast %scan3A_4 : i32 to index
      %swap3A_15 = arith.constant 0 : index
      %swap3A_16 = vector.load %arg4[%swap3A, %swap3A_14, %swap3A_15] : memref<1x2048x128xf32, #tpu.memory_space<vmem>>, vector<1x1x128xf32>
      %swap3A_17 = vector.shape_cast %swap3A_16 : vector<1x1x128xf32> to vector<1x128xf32>
      %swap3A_18 = vector.shape_cast %get3A_13 : vector<1x128xf32> to vector<1x1x128xf32>
      tpu.vector_store %arg4[%swap3A, %swap3A_14, %swap3A_15], %swap3A_18 {strides = array<i32>} : memref<1x2048x128xf32, #tpu.memory_space<vmem>>, vector<1x1x128xf32>,
      %get3A_19 = arith.constant 0 : index
      %get3A_20 = arith.index_cast %get3A_8 : i32 to index
      %get3A_21 = arith.constant 0 : index
      %get3A_22 = vector.load %arg3[%get3A_19, %get3A_20, %get3A_21] : memref<1x4096x128xf32, #tpu.memory_space<vmem>>, vector<1x1x128xf32>
      %get3A_23 = vector.shape_cast %get3A_22 : vector<1x1x128xf32> to vector<1x128xf32>
      %swap3A_24 = arith.constant 0 : index
      %swap3A_25 = arith.index_cast %scan3A_4 : i32 to index
      %swap3A_26 = arith.constant 0 : index
      %swap3A_27 = vector.load %arg5[%swap3A_24, %swap3A_25, %swap3A_26] : memref<1x2048x128xf32, #tpu.memory_space<vmem>>, vector<1x1x128xf32>
      %swap3A_28 = vector.shape_cast %swap3A_27 : vector<1x1x128xf32> to vector<1x128xf32>
      %swap3A_29 = vector.shape_cast %get3A_23 : vector<1x128xf32> to vector<1x1x128xf32>
      tpu.vector_store %arg5[%swap3A_24, %swap3A_25, %swap3A_26], %swap3A_29 {strides = array<i32>} : memref<1x2048x128xf32, #tpu.memory_space<vmem>>, vector<1x1x128xf32>,
    }
    %scan3A_3 = arith.constant 2048 : i32
    return
  }
  func.func @transform_0(%arg0: i32) -> (i32, i32, i32) {
    %c0_i32 = arith.constant 0 : i32
    %c0_i32_0 = arith.constant 0 : i32
    %c0_i32_1 = arith.constant 0 : i32
    return %arg0, %c0_i32, %c0_i32_0 : i32, i32, i32
  }
  func.func @transform_1(%arg0: i32) -> (i32, i32, i32) {
    %c0_i32 = arith.constant 0 : i32
    %c0_i32_0 = arith.constant 0 : i32
    %c0_i32_1 = arith.constant 0 : i32
    return %arg0, %c0_i32, %c0_i32_0 : i32, i32, i32
  }
  func.func @transform_2(%arg0: i32) -> (i32, i32, i32) {
    %c0_i32 = arith.constant 0 : i32
    %c0_i32_0 = arith.constant 0 : i32
    %c0_i32_1 = arith.constant 0 : i32
    return %arg0, %c0_i32, %c0_i32_0 : i32, i32, i32
  }
  func.func @transform_3(%arg0: i32) -> (i32, i32, i32) {
    %c0_i32 = arith.constant 0 : i32
    %c0_i32_0 = arith.constant 0 : i32
    %c0_i32_1 = arith.constant 0 : i32
    return %arg0, %c0_i32, %c0_i32_0 : i32, i32, i32
  }
  func.func @transform_4(%arg0: i32) -> (i32, i32, i32) {
    %c0_i32 = arith.constant 0 : i32
    %c0_i32_0 = arith.constant 0 : i32
    %c0_i32_1 = arith.constant 0 : i32
    return %arg0, %c0_i32, %c0_i32_0 : i32, i32, i32
  }
}

</mosaic_0001>

<sc_bundles>
// kernel: sparse-core-data-format-call.cloned.1.call-start
scs
called_computation_lowered:
.L_overlay_start_0:
0x0: {  	s1 =	sld [smem:$0x3FD9]  }
0x1: {  	s2 =	sld [smem:$0x3FFE];
	_ =	sdelay $0x1  }
0x2: {  	s3 =	srdreg.scid  }
0x3: {  	s0 =	sand.u32 $0x1, s3  }
0x4: {  	s17 =	sshll.u32 s0, $0xA;
	s1 =	sadd.s32 s2, s1  }
0x5: {  	s1 =	sadd.s32 s1, s17  }
0x6: {  	[smem:$0x3FC5] =	sst s1  }
0x7: {  	_ = 	snop  }
0x8: {  	(tm) =	ssettm $0x1  }
0x9: {  	s18 =	sld [smem:$0x3FFB];
	_ =	sdelay $0x3  }
0xa: {  	_ =	strace s18  }
0xb: {  	s1 =	sld [smem:$0x3FFC];
	_ =	sdelay $0x3  }
0xc: {  	_ =	strace s1  }
0xd: {  	s1 =	sld [smem:$0x3FFD];
	_ =	sdelay $0x3  }
0xe: {  	_ =	strace s1  }
0xf: {  	_ =	strace $0x8FFFFFFF  }
0x10: {  	s19 =	sld [smem:$0x3FDB];
	_ =	sdelay $0x1  }
0x11: {  	s20 =	simm.s32 $_scs_section_size  }
0x12: {  	s4 =	simm.s32 $_size__tile_overlayer_lowered;
	s5 =	simm.s32 $_tile_overlayer_lowered  }
0x13: {  	s23 =	simm.s32 $0x1BFF;
	s22 =	sshll.u32 s5, $0x1;
	s1 =	sadd.s32 s20, s19  }
0x14: {  	s6 =	simm.s32 $0x0;
	s21 =	sshll.u32 s4, $0x1;
	s4 =	sadd.s32 s22, s1  }
0x15: {  	[timem:s6], [sflag:s23] =	dma.local [hbm:s4], s21  }
0x16: {  	_ =	swait.ge [sflag:s23], s21  }
0x17: {  	s2 =	ssub.s32 $0x0, s21;
	[sflag:s23] =	ssyncset.done $0x0  }
0x18: {  	[sflag:s23] =	ssyncadd.s32 s2;
	_ =	sdelay $0x1  }
0x19: {  	s24 =	simm.s32 $0x1B8B  }
0x1a: {  	_ =	swait.ge [sflag:s24], $0x1  }
0x1b: {  	[sflag:s24] =	ssyncset.done $0x0  }
0x1c: {  	s26 =	simm.s32 $0x1B8E;
	s25 =	sld [smem:$0x3FFE];
	[sflag:s24] =	ssyncadd.s32 $0xFFFFFFFF  }
0x1d: {  	s27 =	simm.s32 $execute0_lowered;
	[smem:$0x3FD2] =	sst s26  }
0x1e: {  	s4 =	sshll.u32 s27, $0x1;
	_ =	strace $0x80000046;
	[dreg:$0x1] =	wrdreg $0xFFFFFFFF  }
0x1f: {  	s28 =	simm.s32 $_size_execute0_lowered;
	s1 =	sadd.s32 s1, s4;
	[dreg:$0x0] =	wrdreg $0x0  }
0x20: {  	s4 =	sshll.u32 s28, $0x1;
	[dreg:$0x2] =	wrdreg s1  }
0x21: {  	[dreg:$0x3] =	wrdreg s4  }
0x22: {  	[dreg:$0x4] =	wrdreg $0xC0  }
0x23: {  	_ =	task [dreg:s6], $0x5FFFF  }
0x24: {  	[dreg:$0x1] =	wrdreg $0xFFFFFFFF  }
0x25: {  	[dreg:$0x0] =	wrdreg $0x60  }
0x26: {  	[dreg:$0x2] =	wrdreg s25  }
0x27: {  	[dreg:$0x3] =	wrdreg $0x9  }
0x28: {  	_ =	task.clear_ibuf [dreg:s6], $0x4FFFF;
	_ =	strace $0x90000046  }
0x29: {  	s29 =	simm.s32 $0x9;
	_ =	strace $0x80000048  }
0x2a: {  	_ =	swait.ge [sflag:s29], $0x1  }
0x2b: {  	[sflag:s29] =	ssyncadd.s32 $0xFFFFFFFF  }
0x2c: {  	_ =	strace $0x90000048  }
0x2d: {  	_ =	sfence  }
0x2e: {  	s30 =	sld [smem:$0x0];
	_ =	sdelay $0x2  }
0x2f: {  	s31 =	sshll.u32 s3, $0xD;
	s3 =	sshrl.u32 s3, $0x2  }
0x30: {  	s2 =	sand.u32 $0x4000, s31;
	s1 =	sadd.s32 s3, s30  }
0x31: {  	s0 =	sor.u32 s2, s0;
	s1 =	sshll.u32 s1, $0x11  }
0x32: {  	s0 =	sor.u32 s1, s0  }
0x33: {  	s0 =	sadd.s32 $0x8F2B, s0  }
0x34: {  	[sflag:s0] =	ssyncadd.remote.s32 $0x1  }
0x35: {  	_ =	sfence.sel $0xFFFF  }
0x36: {  	[dreg:$0x0] =	wrdreg $0xFFFFFFFF;
	(pc) =	sbr.abs _section_cstart, $3  }
0x37: {  	[dreg:$0x1] =	wrdreg $0xFFFFFFFF  }
0x38: {  	_ =	task.clear_ibuf [dreg:s6], $0x2FFFF;
	_ =	strace $0x9FFFFFFF  }
0x39: {  	(tm) =	ssettm $0x7FFFFFFF  }
tec
execute0_lowered:
.L_overlay_start_1:
0x0: {  	(tag) =	ssettag $0x1  }
0x1: {  	s0 =	stileid.u32  }
0x2: {  	s1 =	srdreg.scid;
	s3 =	rddreg [dreg:$0x0];
	s7 =	simm.s32 $0x1  }
0x3: {  	s6 =	simm.s32 $0x1;
	s2 =	sshll.u32 s0, $0x5;
	s1 =	sshll.u32 s1, $0x9  }
0x4: {  	s31 =	simm.s32 $0x2;
	s16 =	simm.s32 $0x0;
	s1 =	sor.u32 s2, s1  }
0x5: {  	s9 =	simm.s32 $0x8000;
	s14 =	simm.s32 $0x0;
	s2 =	sand.u32 $0x380, s1  }
0x6: {  	s15 =	simm.s32 $0x0;
	s10 =	simm.s32 $0x0;
	s5 =	ssub.s32 $0x1000, s2  }
0x7: {  	s13 =	simm.s32 $0x0;
	s1 =	rddreg [dreg:$0x1];
	s4 =	sand.u32 $0x380, s5  }
.Ltmp0:
0x8: {  	_ =	strace $0x80000047;
	p0 =	sne.s32 s4, $0x0;
	(pc) =	sbr.rel .LBB1_1-.Ltmp0, $4  }
0x9: {  	[sflag:s6] =	ssyncpa.u1 $0x0;
	s8 =	sshrl.u32 s5, $0xA;
	s7 =	simm.s32 @!p0 $0x0  }
0xa: {  	s11 =	smov.u32 s2;
	s5 =	sand.u32 $0x3, s0;
	s7 =	sadd.s32 s7, s8  }
0xb: {  	[sflag:s31] =	ssyncpa.u1 $0x0;
	s4 =	sadd.s32 $0x800000, s3;
	s7 =	sshll.u32 s7, $0x5  }
0xc: {  	s12 =	smov.u32 s5;
	p0 =	por $0x0, $0x0;
	s8 =	sor.u32 $0x1, s7  }
.LBB1_4:
0xd: {  	v5 =	vld [tilespmem:s19+$0xFFFFFFD0]  }
0xe: {  	[tilespmem:s20+$0x2040 ss:$0x81] =	vst.msk $0xffff, v1;
	v58 =	vld [tilespmem:s19+$0xFFFFFFE0]  }
0xf: {  	[tilespmem:s20+$0x2850 ss:$0x81] =	vst.msk $0xffff, v2;
	v59 =	vld [tilespmem:s19+$0xFFFFFFF0]  }
0x10: {  	s21 =	sshra.s32 s21, $0x2;
	[tilespmem:s20+$0x3060 ss:$0x81] =	vst.msk $0xffff, v3;
	v60 =	vld [tilespmem:s19+$0x0]  }
0x11: {  	[tilespmem:s20+$0x0 ss:$0x81] =	vst.msk $0xffff, v0;
	v61 =	vld [tilespmem:s19+$0x10];
	s18 =	sadd.s32 s21, s18  }
0x12: {  	s26 =	sshll.u32 s16, $0xC;
	v62 =	vld [tilespmem:s19+$0x20];
	[tilespmem:s18+$0x3870 ss:$0x81] =	vst.msk $0xffff, v4  }
0x13: {  	s27 =	sand.u32 $0x78, s14;
	s22 =	sshll.u32 s14, $0x3;
	v63 =	vld [tilespmem:s19+$0xFFFFFFC0];
	s29 =	sshll.u32 s16, $0x7;
	[tilespmem:s18+$0x810 ss:$0x81] =	vst.msk $0xffff, v5  }
0x14: {  	s15 =	sshll.u32 s15, $0x15;
	s20 =	sand.u32 $0xFF8000, s26;
	s28 =	sand.u32 $0xFFFC00, s22;
	[tilespmem:s18+$0x1020 ss:$0x81] =	vst.msk $0xffff, v58  }
0x15: {  	s31 =	sand.u32 $0x7, s14;
	s22 =	sand.u32 $0xC00, s22;
	s19 =	sadd.s32 s28, s20;
	[tilespmem:s18+$0x1830 ss:$0x81] =	vst.msk $0xffff, v59  }
0x16: {  	s16 =	sand.u32 $0x380, s29;
	s30 =	sor.u32 s27, s22;
	s19 =	sshrl.u32 s19, $0x3;
	[tilespmem:s18+$0x2040 ss:$0x81] =	vst.msk $0xffff, v60  }
0x17: {  	s15 =	sadd.s32 s4, s15;
	s16 =	sor.u32 s16, s30;
	s19 =	sand.u32 $0x1FFE00, s19;
	[tilespmem:s18+$0x2850 ss:$0x81] =	vst.msk $0xffff, v61  }
0x18: {  	s14 =	sshll.u32 s31, $0x12;
	s16 =	sshrl.u32 s16, $0x3;
	[tilespmem:s18+$0x3060 ss:$0x81] =	vst.msk $0xffff, v62;
	s15 =	sadd.s32 s19, s15  }
0x19: {  	s14 =	sor.u32 $0x400, s14;
	[tilespmem:s18+$0x0 ss:$0x81] =	vst.msk $0xffff, v63;
	s15 =	sadd.s32 s16, s15  }
0x1a: {  	[hbm4b:s15+s14] =	stream.strided.scatter [tilespmem:s17], [sflag:$0x2], $0x4000, s9, s14, $0x20;
	[tilespmem:$0x10100] =	vst v63  }
.LBB1_5:
0x1b: {  	s17 =	sadd.s32 $0x80, s10  }
0x1c: {  	s14 =	sadd.s32 $0x400, s11;
	s18 =	smov.u32 s11;
	p2 =	sgt.s32 s17, $0xFFF  }
0x1d: {  	s18 =	smov.u32 @p2 s14  }
0x1e: {  	s20 =	smov.u32 s12;
	s14 =	sadd.s32 $0x4, s12;
	p3 =	sgt.s32 s18, $0xFFF  }
0x1f: {  	s20 =	smov.u32 @p3 s14  }
0x20: {  	s17 =	simm.s32 @p2 $0x0;
	p2 =	sgt.s32 s20, $0x3  }
0x21: {  	p1 =	slt.u32 s13, $0x2;
	s20 =	smov.u32 @p2 s5;
	p2 =	sne.s32 s13, s8  }
.Ltmp1:
0x22: {  	s19 =	simm.s32 @!p1 $0x2;
	(pc) =	sbr.rel @!p2 .LBB1_6-.Ltmp1, $4  }
0x23: {  	s16 =	smov.u32 s10;
	s15 =	smov.u32 s12;
	_ =	swait.ge @!p1 [sflag:s19], $0x4000  }
0x24: {  	p0 =	por !p0, !p0;
	[sflag:s19] =	ssyncset.done @!p1 $0x0;
	s10 =	smov.u32 s17  }
0x25: {  	s18 =	smov.u32 @p3 s2;
	s14 =	smov.u32 s11;
	[sflag:s19] =	ssyncadd.s32 @!p1 $0xFFFFC000  }
0x26: {  	s11 =	smov.u32 s18;
	s13 =	sadd.s32 $0x1, s13;
	s12 =	smov.u32 s20  }
.LBB1_1:
0x27: {  	p1 =	sge.u32 s13, s7;
	s31 =	sadd.s32 $0xFFFFFFFF, s13  }
0x28: {  	s17 =	sxor.u32 @!p1 $0xFFFFFFFF, s13;
	s18 =	sand.u32 @!p1 $0x78, s10;
	s19 =	sshll.u32 @!p1 s11, $0xC  }
0x29: {  	s20 =	sshll.u32 @!p1 s11, $0x7;
	s21 =	sshll.u32 @!p1 s10, $0x3;
	s17 =	sshll.u32 @!p1 s17, $0xE  }
0x2a: {  	s19 =	sand.u32 @!p1 $0xFF8000, s19;
	s20 =	sand.u32 @!p1 $0x380, s20;
	s17 =	sand.u32 @!p1 $0x4000, s17  }
0x2b: {  	s19 =	sadd.s32 @!p1 s19, s21;
	s21 =	sand.u32 @!p1 $0xC00, s21;
	s18 =	sor.u32 @!p1 s20, s18  }
0x2c: {  	s20 =	sshll.u32 @!p1 s12, $0x15;
	s18 =	sor.u32 @!p1 s21, s18;
	s19 =	sshrl.u32 @!p1 s19, $0x3  }
0x2d: {  	s20 =	sadd.s32 @!p1 s3, s20;
	s21 =	sand.u32 @!p1 $0x7, s10;
	s19 =	sand.u32 @!p1 $0x1FFE00, s19  }
0x2e: {  	s18 =	sshrl.u32 @!p1 s18, $0x3;
	s19 =	sadd.s32 @!p1 s19, s20;
	s20 =	sshll.u32 @!p1 s21, $0x12  }
0x2f: {  	s18 =	sadd.s32 @!p1 s18, s19;
	s19 =	sor.u32 @!p1 $0x400, s20;
	s20 =	simm.s32 @!p1 $0x8000  }
0x30: {  	[tilespmem:s17], [sflag:$0x1] =	stream.strided.gather @!p1 [hbm4b:s18+s19], $0x4000, s20, s19, $0x38;
	[tilespmem:$0x10100] =	vst v63  }
0x31: {  	p1 =	sge.u32 s31, s7  }
.Ltmp2:
0x32: {  	_ = 	snop;
	(pc) =	sbr.rel @p1 .LBB1_5-.Ltmp2, $1  }
0x33: {  	_ =	sdelay $0x3  }
0x34: {  	s17 =	simm.s32 $0x1  }
0x35: {  	_ =	swait.ge [sflag:s6], $0x4000;
	s17 =	simm.s32 @!p0 $0x0  }
0x36: {  	[sflag:s6] =	ssyncset.done $0x0;
	s18 =	sshll.u32 s17, $0xE  }
0x37: {  	[sflag:s6] =	ssyncadd.s32 $0xFFFFC000;
	s19 =	sor.u32 $0x40, s18  }
0x38: {  	s17 =	smul.u32 $0x10200, s17;
	v0 =	vld [tilespmem:s19+$0x30]  }
0x39: {  	v3 =	vld [tilespmem:s19+$0xFFFFFFD0]  }
0x3a: {  	s17 =	sshrl.u32 s17, $0x2;
	v4 =	vld [tilespmem:s19+$0xFFFFFFE0]  }
0x3b: {  	v5 =	vld [tilespmem:s19+$0xFFFFFFF0];
	s18 =	sor.u32 $0x8000, s17  }
0x3c: {  	s31 =	sand.u32 $0x1, s13;
	v1 =	vld [tilespmem:s19+$0x0];
	s20 =	sadd.s32 $0x0, s18  }
0x3d: {  	v2 =	vld [tilespmem:s19+$0x10];
	s17 =	smul.u32 $0x10200, s31;
	[tilespmem:s20+$0x3870 ss:$0x81] =	vst.msk $0xffff, v0  }
0x3e: {  	[tilespmem:s20+$0x810 ss:$0x81] =	vst.msk $0xffff, v3;
	v3 =	vld [tilespmem:s19+$0x20]  }
0x3f: {  	s17 =	sshrl.u32 s17, $0x2;
	v0 =	vld [tilespmem:s19+$0xFFFFFFC0];
	[tilespmem:s20+$0x1020 ss:$0x81] =	vst.msk $0xffff, v4;
	s19 =	sadd.s32 $0x80, s19  }
0x40: {  	s21 =	simm.s32 $0x4;
	s22 =	simm.s32 $0x8;
	s17 =	sor.u32 $0x8000, s17;
	[tilespmem:s20+$0x1830 ss:$0x81] =	vst.msk $0xffff, v5;
	v4 =	vld [tilespmem:s19+$0x30]  }
.LBB1_3:
0x41: {  	p1 =	sne.s32 s22, $0x1FC;
	v5 =	vld [tilespmem:s19+$0xFFFFFFD0];
	[tilespmem:s20+$0x2040 ss:$0x81] =	vst.msk $0xffff, v1  }
0x42: {  	v6 =	vld [tilespmem:s19+$0xFFFFFFE0];
	[tilespmem:s20+$0x2850 ss:$0x81] =	vst.msk $0xffff, v2  }
0x43: {  	s23 =	sshra.s32 s21, $0x2;
	s21 =	smov.u32 s22;
	v7 =	vld [tilespmem:s19+$0xFFFFFFF0];
	[tilespmem:s20+$0x3060 ss:$0x81] =	vst.msk $0xffff, v3  }
.Ltmp3:
0x44: {  	v1 =	vld [tilespmem:s19+$0x0];
	[tilespmem:s20+$0x0 ss:$0x81] =	vst.msk $0xffff, v0;
	s20 =	sadd.s32 s23, s18;
	(pc) =	sbr.rel @p1 .LBB1_3-.Ltmp3, $4  }
0x45: {  	v2 =	vld [tilespmem:s19+$0x10];
	[tilespmem:s20+$0x3870 ss:$0x81] =	vst.msk $0xffff, v4  }
0x46: {  	[tilespmem:s20+$0x810 ss:$0x81] =	vst.msk $0xffff, v5;
	v3 =	vld [tilespmem:s19+$0x20]  }
0x47: {  	v0 =	vld [tilespmem:s19+$0xFFFFFFC0];
	[tilespmem:s20+$0x1020 ss:$0x81] =	vst.msk $0xffff, v6;
	s19 =	sadd.s32 $0x80, s19  }
0x48: {  	s22 =	sadd.s32 $0x4, s22;
	v4 =	vld [tilespmem:s19+$0x30];
	[tilespmem:s20+$0x1830 ss:$0x81] =	vst.msk $0xffff, v7  }
.Ltmp4:
0x49: {  	_ = 	snop;
	(pc) =	sbr.rel .LBB1_4-.Ltmp4, $1  }
0x4a: {  	_ =	sdelay $0x3  }
.LBB1_6:
0x4b: {  	_ =	sfence.sel $0x180000  }
0x4c: {  	s2 =	simm.s32 $0x1;
	[bflag:$0x0] =	sbarrier.arrive $0xFFFF  }
0x4d: {  	s31 =	simm.s32 $0x2;
	[sflag:s2] =	ssyncpa.u1 $0x1  }
0x4e: {  	[sflag:s31] =	ssyncpa.u1 $0x1  }
0x4f: {  	p0 =	sne.s32 s0, $0x0;
	_ =	strace $0x90000047  }
0x50: {  	s0 =	sadd.s32 @!p0 $0x100000, s1;
	[bflag:$0x2] =	sbarrier.arrive $0xFFFF  }
0x51: {  	[sflag:s0] =	ssyncadd.tile.s32 @!p0 $0x1;
	_ =	shalt  }
.Lfunc_end1:
_tile_overlayer_lowered:
.L_overlay_start_2:
0x52: {  	(tag) =	ssettag $0x2  }
0x53: {  	s0 =	rddreg [dreg:$0x0];
	s2 =	stileid.u32  }
0x54: {  	s1 =	rddreg [dreg:$0x1];
	p0 =	sne.s32 s2, $0x0  }
0x55: {  	s3 =	rddreg [dreg:$0x2];
	[bflag:$0x3] =	sbarrier.arrive $0xFFFF;
	s2 =	simm.s32 @!p0 $0x1C01  }
0x56: {  	[timem:s3], [sflag:s2] =	dma.local @!p0 [hbm:s0], s1  }
0x57: {  	s0 =	simm.s32 @!p0 $0x1  }
0x58: {  	_ =	swait.ge @!p0 [sflag:s0], s1  }
0x59: {  	s1 =	ssub.s32 @!p0 $0x0, s1;
	[sflag:s0] =	ssyncset.done @!p0 $0x0  }
0x5a: {  	[sflag:s0] =	ssyncadd.s32 @!p0 s1  }
0x5b: {  	[bflag:$0x3] =	sbarrier.arrive $0xFFFF  }
0x5c: {  	_ =	shalt  }

</sc_bundles>
